<compile_context>
chip_gen: v7x
topology: tpu7x:2x2x1
jax: 0.10.2.dev20260603
libtpu: 0.0.44.dev20260713+nightly
codegen_flags: <defaults>
</compile_context>

<pallas_src>
import functools

import jax
import jax.numpy as jnp
from jax import lax
from jax.experimental import pallas as pl
from jax.experimental.pallas import tpu as pltpu
from jax.experimental.pallas import tpu_sc as plsc

N_CORES = 2
N_SUB = 16
NW = N_CORES * N_SUB
CHUNK = 128
DEG_W = 128


def _sc_degree(dst_t, ones_blk, zeros_blk, n_pad):
    c_chunks = dst_t.shape[1]
    rpt = n_pad // N_SUB
    zsteps = rpt // CHUNK
    mesh = plsc.VectorSubcoreMesh(core_axis_name="c", subcore_axis_name="s",
                                  num_cores=N_CORES, num_subcores=N_SUB)

    @functools.partial(
        pl.kernel,
        out_type=jax.ShapeDtypeStruct((N_CORES, n_pad, DEG_W), jnp.float32),
        mesh=mesh,
        scratch_types=[
            pltpu.VMEM((c_chunks, CHUNK), jnp.int32),
            pltpu.VMEM((CHUNK, DEG_W), jnp.float32),
            pltpu.VMEM((CHUNK, DEG_W), jnp.float32),
            pltpu.VMEM_SHARED((n_pad, DEG_W), jnp.float32),
        ],
    )
    def k(dst_hbm, ones_hbm, zeros_hbm, out_hbm, dstv, onesv, buf, deg_sh):
        cid = lax.axis_index("c")
        sid = lax.axis_index("s")
        wid = sid * N_CORES + cid
        base = sid * rpt
        pltpu.sync_copy(zeros_hbm, buf)

        @pl.loop(0, zsteps)
        def _zero(t):
            pltpu.sync_copy(buf, deg_sh.at[pl.ds(base + t * CHUNK, CHUNK)])

        pltpu.sync_copy(ones_hbm, onesv)
        pltpu.sync_copy(dst_hbm.at[wid], dstv)
        plsc.subcore_barrier()

        @pl.loop(0, c_chunks)
        def _edges(j):
            pltpu.sync_copy(onesv, deg_sh.at[dstv.at[j]], add=True)

        plsc.subcore_barrier()

        @pl.loop(0, zsteps)
        def _out(t):
            pltpu.sync_copy(deg_sh.at[pl.ds(base + t * CHUNK, CHUNK)], buf)
            pltpu.sync_copy(
                buf, out_hbm.at[cid, pl.ds(base + t * CHUNK, CHUNK)])

    return k(dst_t, ones_blk, zeros_blk)


def _sc_agg(y, src_t, dst_t, zeros_blk, n_pad):
    c_chunks = src_t.shape[1]
    d = y.shape[1]
    rpt = n_pad // N_SUB
    zsteps = rpt // CHUNK
    mesh = plsc.VectorSubcoreMesh(core_axis_name="c", subcore_axis_name="s",
                                  num_cores=N_CORES, num_subcores=N_SUB)

    @functools.partial(
        pl.kernel,
        out_type=jax.ShapeDtypeStruct((N_CORES, n_pad, d), jnp.float32),
        mesh=mesh,
        scratch_types=[
            pltpu.VMEM((c_chunks, CHUNK), jnp.int32),
            pltpu.VMEM((c_chunks, CHUNK), jnp.int32),
            pltpu.VMEM((CHUNK, d), jnp.float32),
            pltpu.VMEM_SHARED((n_pad, d), jnp.float32),
            pltpu.SemaphoreType.DMA,
        ],
    )
    def k(y_hbm, src_hbm, dst_hbm, zeros_hbm, out_hbm,
          srcv, dstv, rows, agg_sh, sem):
        cid = lax.axis_index("c")
        sid = lax.axis_index("s")
        wid = sid * N_CORES + cid
        base = sid * rpt
        pltpu.sync_copy(zeros_hbm, rows)

        @pl.loop(0, zsteps)
        def _zero(t):
            pltpu.sync_copy(rows, agg_sh.at[pl.ds(base + t * CHUNK, CHUNK)])

        pltpu.sync_copy(src_hbm.at[wid], srcv)
        pltpu.sync_copy(dst_hbm.at[wid], dstv)
        plsc.subcore_barrier()

        @pl.loop(0, c_chunks)
        def _edges(j):
            pltpu.async_copy(y_hbm.at[srcv.at[j]], rows, sem).wait()
            pltpu.sync_copy(rows, agg_sh.at[dstv.at[j]], add=True)

        plsc.subcore_barrier()

        @pl.loop(0, zsteps)
        def _out(t):
            pltpu.sync_copy(agg_sh.at[pl.ds(base + t * CHUNK, CHUNK)], rows)
            pltpu.sync_copy(
                rows, out_hbm.at[cid, pl.ds(base + t * CHUNK, CHUNK)])

    return k(y, src_t, dst_t, zeros_blk)


def _dinv_of(deg_ref):
    cnt = (deg_ref[0] + deg_ref[1])[:, 0:1]
    return lax.rsqrt(cnt + 1.0)


def _tc_prescale(x_pad, w, degp, blk):
    n_pad = x_pad.shape[0]

    def body(x_ref, w_ref, deg_ref, y_ref):
        dinv = _dinv_of(deg_ref)
        xw = jnp.dot(x_ref[...], w_ref[...],
                     preferred_element_type=jnp.float32)
        y_ref[...] = xw * dinv

    return pl.pallas_call(
        body,
        grid=(n_pad // blk,),
        in_specs=[
            pl.BlockSpec((blk, 128), lambda i: (i, 0)),
            pl.BlockSpec((128, 128), lambda i: (0, 0)),
            pl.BlockSpec((N_CORES, blk, DEG_W), lambda i: (0, i, 0)),
        ],
        out_specs=pl.BlockSpec((blk, 128), lambda i: (i, 0)),
        out_shape=jax.ShapeDtypeStruct((n_pad, 128), jnp.float32),
    )(x_pad, w, degp)


def _tc_mid(aggp, y1, degp, b1, w2, blk):
    n_pad = y1.shape[0]

    def body(agg_ref, y1_ref, deg_ref, b1_ref, w2_ref, y2_ref):
        dinv = _dinv_of(deg_ref)
        pre = dinv * (agg_ref[0] + agg_ref[1] + y1_ref[...]) + b1_ref[...]
        h = jnp.maximum(pre, 0.0)
        y2_ref[...] = jnp.dot(h, w2_ref[...],
                              preferred_element_type=jnp.float32) * dinv

    return pl.pallas_call(
        body,
        grid=(n_pad // blk,),
        in_specs=[
            pl.BlockSpec((N_CORES, blk, 128), lambda i: (0, i, 0)),
            pl.BlockSpec((blk, 128), lambda i: (i, 0)),
            pl.BlockSpec((N_CORES, blk, DEG_W), lambda i: (0, i, 0)),
            pl.BlockSpec((1, 128), lambda i: (0, 0)),
            pl.BlockSpec((128, 128), lambda i: (0, 0)),
        ],
        out_specs=pl.BlockSpec((blk, 128), lambda i: (i, 0)),
        out_shape=jax.ShapeDtypeStruct((n_pad, 128), jnp.float32),
    )(aggp, y1, degp, b1, w2)


def _tc_head(aggp, y2, degp, b2, pw1, pb1, pw2, pb2, blk):
    n_pad = y2.shape[0]

    def body(agg_ref, y2_ref, deg_ref, b2_ref, pw1_ref, pb1_ref,
             pw2_ref, pb2_ref, z_ref, zp_ref):
        dinv = _dinv_of(deg_ref)
        z = dinv * (agg_ref[0] + agg_ref[1] + y2_ref[...]) + b2_ref[...]
        z_ref[...] = z
        t = jnp.dot(z, pw1_ref[...],
                    preferred_element_type=jnp.float32) + pb1_ref[...]
        zp = jnp.where(t > 0.0, t, jnp.exp(t) - 1.0)
        zp_ref[...] = jnp.dot(zp, pw2_ref[...],
                              preferred_element_type=jnp.float32) + pb2_ref[...]

    return pl.pallas_call(
        body,
        grid=(n_pad // blk,),
        in_specs=[
            pl.BlockSpec((N_CORES, blk, 128), lambda i: (0, i, 0)),
            pl.BlockSpec((blk, 128), lambda i: (i, 0)),
            pl.BlockSpec((N_CORES, blk, DEG_W), lambda i: (0, i, 0)),
            pl.BlockSpec((1, 128), lambda i: (0, 0)),
            pl.BlockSpec((128, 128), lambda i: (0, 0)),
            pl.BlockSpec((1, 128), lambda i: (0, 0)),
            pl.BlockSpec((128, 128), lambda i: (0, 0)),
            pl.BlockSpec((1, 128), lambda i: (0, 0)),
        ],
        out_specs=[
            pl.BlockSpec((blk, 128), lambda i: (i, 0)),
            pl.BlockSpec((blk, 128), lambda i: (i, 0)),
        ],
        out_shape=[
            jax.ShapeDtypeStruct((n_pad, 128), jnp.float32),
            jax.ShapeDtypeStruct((n_pad, 128), jnp.float32),
        ],
    )(aggp, y2, degp, b2, pw1, pb1, pw2, pb2)


def kernel(x, W1, b1, W2, b2, PW1, Pb1, PW2, Pb2, edge_index):
    n, d = x.shape
    e = edge_index.shape[1]

    node_blk = N_SUB * CHUNK
    n_pad = -(-n // node_blk) * node_blk
    e_blk = NW * CHUNK
    c_chunks = -(-e // e_blk)
    e_pad = c_chunks * e_blk

    src = jnp.concatenate(
        [edge_index[0], jnp.zeros((e_pad - e,), jnp.int32)])
    dst = jnp.concatenate(
        [edge_index[1], jnp.full((e_pad - e,), n, jnp.int32)])
    src_t = src.reshape(NW, c_chunks, CHUNK)
    dst_t = dst.reshape(NW, c_chunks, CHUNK)

    x_pad = jnp.pad(x, ((0, n_pad - n), (0, 0)))
    ones_blk = jnp.ones((CHUNK, DEG_W), jnp.float32)
    zeros_deg = jnp.zeros((CHUNK, DEG_W), jnp.float32)
    zeros_row = jnp.zeros((CHUNK, d), jnp.float32)

    degp = _sc_degree(dst_t, ones_blk, zeros_deg, n_pad)

    blk = 1024
    y1 = _tc_prescale(x_pad, W1, degp, blk)
    agg1 = _sc_agg(y1, src_t, dst_t, zeros_row, n_pad)
    y2 = _tc_mid(agg1, y1, degp, b1.reshape(1, 128), W2, blk)
    agg2 = _sc_agg(y2, src_t, dst_t, zeros_row, n_pad)
    z, z_proj = _tc_head(agg2, y2, degp, b2.reshape(1, 128),
                         PW1, Pb1.reshape(1, 128), PW2, Pb2.reshape(1, 128),
                         blk)
    return z[:n], z_proj[:n]

# --- scband reference (transcript-rebuilt; emitter-appended) ---
"""Pipeline reference for scband-deep-graph-clustering-model-69681549410759 (READ-ONLY COPY).

The authoritative reference and input builder live on the scoring server;
editing this copy changes nothing except your own understanding.
"""

import jax, jax.numpy as jnp
import numpy as np

N_NODES = 10000
D_FEAT = 128
N_EDGES = 320000


def _glorot(key, shape):
    fan_in, fan_out = shape[0], shape[1]
    std = jnp.sqrt(2.0 / (fan_in + fan_out))
    return jax.random.normal(key, shape, dtype=jnp.float32) * std


def setup_inputs(seed: int = 0) -> dict:
    key = jax.random.key(seed)
    ks = jax.random.split(key, 12)
    x = jax.random.normal(ks[0], (N_NODES, D_FEAT), dtype=jnp.float32)
    edge_index = jax.random.randint(ks[1], (2, N_EDGES), 0, N_NODES, dtype=jnp.int32)
    # GCN layer weights (GCNConv: in->hidden, hidden->z_dim), all dims = 128
    W1 = _glorot(ks[2], (128, 128))
    b1 = jnp.zeros((128,), dtype=jnp.float32)
    W2 = _glorot(ks[3], (128, 128))
    b2 = jnp.zeros((128,), dtype=jnp.float32)
    # Projection head (Linear 128->128, Linear 128->128)
    PW1 = _glorot(ks[4], (128, 128))
    Pb1 = jnp.zeros((128,), dtype=jnp.float32)
    PW2 = _glorot(ks[5], (128, 128))
    Pb2 = jnp.zeros((128,), dtype=jnp.float32)
    return {"x": x, "W1": W1, "b1": b1, "W2": W2, "b2": b2,
            "PW1": PW1, "Pb1": Pb1, "PW2": PW2, "Pb2": Pb2,
            "edge_index": edge_index}


def _gcn_conv(x, edge_index, W, b):
    # PyG GCNConv semantics: add self-loops, symmetric normalization D^-1/2 (A+I) D^-1/2 X W + b
    n = x.shape[0]
    loop = jnp.arange(n, dtype=edge_index.dtype)
    src = jnp.concatenate([edge_index[0], loop])
    dst = jnp.concatenate([edge_index[1], loop])
    xw = x @ W
    deg = jnp.zeros((n,), dtype=xw.dtype).at[dst].add(1.0)
    dinv = jnp.where(deg > 0, deg ** -0.5, 0.0)
    norm = dinv[src] * dinv[dst]
    msg = jnp.take(xw, src, axis=0) * norm[:, None]
    out = jnp.zeros((n, W.shape[1]), dtype=xw.dtype).at[dst].add(msg)
    return out + b


def reference(x, W1, b1, W2, b2, PW1, Pb1, PW2, Pb2, edge_index):
    # Stage 1 of DeepGraphClusteringModel: forward_gcn_proj(x, edge_index)
    h = jax.nn.relu(_gcn_conv(x, edge_index, W1, b1))
    z = _gcn_conv(h, edge_index, W2, b2)
    zp = jax.nn.elu(z @ PW1 + Pb1)
    z_proj = zp @ PW2 + Pb2
    return (z, z_proj)

if __name__ == "__main__":
    import jax
    _d = setup_inputs()
    print(jax.jit(kernel)(*tuple(_d.values())))

</pallas_src>

<mosaic_0001>
#map = affine_map<(d0, d1) -> (0, 0)>
#map1 = affine_map<(d0, d1) -> (0, 0, 0)>
module attributes {stable_mosaic.version = 14 : i64} {
  func.func @k(%arg0: i32, %arg1: i32, %arg2: memref<10240x128xf32, #tpu.memory_space<hbm>>, %arg3: memref<32x79x128xi32, #tpu.memory_space<hbm>>, %arg4: memref<32x79x128xi32, #tpu.memory_space<hbm>>, %arg5: memref<128x128xf32, #tpu.memory_space<hbm>>, %arg6: memref<2x10240x128xf32, #tpu.memory_space<hbm>>, %arg7: memref<79x128xi32, #tpu.memory_space<vmem>>, %arg8: memref<79x128xi32, #tpu.memory_space<vmem>>, %arg9: memref<128x128xf32, #tpu.memory_space<vmem>>, %arg10: memref<10240x128xf32, #tpu.memory_space<vmem_shared>>, %arg11: memref<!tpu.dma_semaphore, #tpu.memory_space<semaphore_mem>>) attributes {dimension_semantics = [#tpu.dimension_semantics<core_parallel>, #tpu.dimension_semantics<subcore_parallel>], iteration_bounds = array<i64: 2, 16>, scalar_prefetch = 0 : i64, scratch_operands = 5 : i64, tpu.core_type = #tpu.core_type<sc_vector_subcore>, window_params = [{transform_indices = #map}, {transform_indices = #map1}, {transform_indices = #map1}, {transform_indices = #map}, {transform_indices = #map1}]} {
    %mul3A = arith.constant 2 : i32
    %mul3A_0 = arith.muli %arg1, %mul3A : i32
    %add3A = arith.addi %mul3A_0, %arg0 : i32
    %mul3A_1 = arith.constant 640 : i32
    %mul3A_2 = arith.muli %arg1, %mul3A_1 : i32
    "tpu.region"() ({
      %run_scoped3A = tpu.sem_alloc : memref<!tpu.dma_semaphore, #tpu.memory_space<semaphore_mem>>
      tpu.enqueue_dma source(%arg5 : memref<128x128xf32, #tpu.memory_space<hbm>>) target(%arg9 : memref<128x128xf32, #tpu.memory_space<vmem>>) target_semaphore(%run_scoped3A : memref<!tpu.dma_semaphore, #tpu.memory_space<semaphore_mem>>)
      tpu.wait_dma2 semaphore(%run_scoped3A : memref<!tpu.dma_semaphore, #tpu.memory_space<semaphore_mem>>) src(%arg5 : memref<128x128xf32, #tpu.memory_space<hbm>>) dst(%arg9 : memref<128x128xf32, #tpu.memory_space<vmem>>)
      tpu.yield
    }) : () -> ()
    %scan3A = arith.constant 0 : i32
    %scan3A_3 = arith.constant 5 : i32
    %scan3A_4 = arith.addi %scan3A, %scan3A_3 : i32
    %scan3A_5 = arith.constant 1 : i32
    scf.for %scan3A_18 = %scan3A to %scan3A_4 step %scan3A_5  : i32 {
      %mul3A_19 = arith.constant 1 : i32
      %mul3A_20 = arith.muli %scan3A_18, %mul3A_19 : i32
      %add3A_21 = arith.constant 0 : i32
      %add3A_22 = arith.addi %add3A_21, %mul3A_20 : i32
      %mul3A_23 = arith.constant 128 : i32
      %mul3A_24 = arith.muli %add3A_22, %mul3A_23 : i32
      %add3A_25 = arith.addi %mul3A_2, %mul3A_24 : i32
      "tpu.region"() ({
        %run_scoped3A = tpu.sem_alloc : memref<!tpu.dma_semaphore, #tpu.memory_space<semaphore_mem>>
        %dma_start3A = arith.constant 0 : i32
        %dma_start3A_26 = tpu.memref_slice %arg10[%add3A_25, %dma_start3A] : memref<10240x128xf32, #tpu.memory_space<vmem_shared>> -> memref<128x128xf32, #tpu.memory_space<vmem_shared>>
        %dma_start3A_27 = arith.constant 0 : i32
        %dma_start3A_28 = tpu.memref_slice %arg10[%add3A_25, %dma_start3A_27] : memref<10240x128xf32, #tpu.memory_space<vmem_shared>> -> memref<128x128xf32, #tpu.memory_space<vmem_shared>>
        tpu.enqueue_dma source(%arg9 : memref<128x128xf32, #tpu.memory_space<vmem>>) target(%dma_start3A_28 : memref<128x128xf32, #tpu.memory_space<vmem_shared>>) target_semaphore(%run_scoped3A : memref<!tpu.dma_semaphore, #tpu.memory_space<semaphore_mem>>)
        %dma_wait3A = arith.constant 0 : i32
        %dma_wait3A_29 = tpu.memref_slice %arg10[%add3A_25, %dma_wait3A] : memref<10240x128xf32, #tpu.memory_space<vmem_shared>> -> memref<128x128xf32, #tpu.memory_space<vmem_shared>>
        %dma_wait3A_30 = arith.constant 0 : i32
        %dma_wait3A_31 = tpu.memref_slice %arg10[%add3A_25, %dma_wait3A_30] : memref<10240x128xf32, #tpu.memory_space<vmem_shared>> -> memref<128x128xf32, #tpu.memory_space<vmem_shared>>
        tpu.wait_dma2 semaphore(%run_scoped3A : memref<!tpu.dma_semaphore, #tpu.memory_space<semaphore_mem>>) src(%arg9 : memref<128x128xf32, #tpu.memory_space<vmem>>) dst(%dma_wait3A_31 : memref<128x128xf32, #tpu.memory_space<vmem_shared>>)
        tpu.yield
      }) : () -> ()
    }
    %scan3A_6 = arith.constant 5 : i32
    "tpu.region"() ({
      %run_scoped3A = tpu.sem_alloc : memref<!tpu.dma_semaphore, #tpu.memory_space<semaphore_mem>>
      %dma_start3A = arith.constant 0 : i32
      %dma_start3A_18 = arith.constant 0 : i32
      %dma_start3A_19 = tpu.memref_slice %arg3[%add3A, %dma_start3A, %dma_start3A_18] : memref<32x79x128xi32, #tpu.memory_space<hbm>> -> memref<1x79x128xi32, #tpu.memory_space<hbm>>
      %dma_start3A_20 = tpu.memref_squeeze %dma_start3A_19 : memref<1x79x128xi32, #tpu.memory_space<hbm>> -> memref<79x128xi32, #tpu.memory_space<hbm>>
      %dma_start3A_21 = arith.constant 0 : i32
      %dma_start3A_22 = arith.constant 0 : i32
      %dma_start3A_23 = tpu.memref_slice %arg3[%add3A, %dma_start3A_21, %dma_start3A_22] : memref<32x79x128xi32, #tpu.memory_space<hbm>> -> memref<1x79x128xi32, #tpu.memory_space<hbm>>
      %dma_start3A_24 = tpu.memref_squeeze %dma_start3A_23 : memref<1x79x128xi32, #tpu.memory_space<hbm>> -> memref<79x128xi32, #tpu.memory_space<hbm>>
      tpu.enqueue_dma source(%dma_start3A_24 : memref<79x128xi32, #tpu.memory_space<hbm>>) target(%arg7 : memref<79x128xi32, #tpu.memory_space<vmem>>) target_semaphore(%run_scoped3A : memref<!tpu.dma_semaphore, #tpu.memory_space<semaphore_mem>>)
      %dma_wait3A = arith.constant 0 : i32
      %dma_wait3A_25 = arith.constant 0 : i32
      %dma_wait3A_26 = tpu.memref_slice %arg3[%add3A, %dma_wait3A, %dma_wait3A_25] : memref<32x79x128xi32, #tpu.memory_space<hbm>> -> memref<1x79x128xi32, #tpu.memory_space<hbm>>
      %dma_wait3A_27 = tpu.memref_squeeze %dma_wait3A_26 : memref<1x79x128xi32, #tpu.memory_space<hbm>> -> memref<79x128xi32, #tpu.memory_space<hbm>>
      %dma_wait3A_28 = arith.constant 0 : i32
      %dma_wait3A_29 = arith.constant 0 : i32
      %dma_wait3A_30 = tpu.memref_slice %arg3[%add3A, %dma_wait3A_28, %dma_wait3A_29] : memref<32x79x128xi32, #tpu.memory_space<hbm>> -> memref<1x79x128xi32, #tpu.memory_space<hbm>>
      %dma_wait3A_31 = tpu.memref_squeeze %dma_wait3A_30 : memref<1x79x128xi32, #tpu.memory_space<hbm>> -> memref<79x128xi32, #tpu.memory_space<hbm>>
      tpu.wait_dma2 semaphore(%run_scoped3A : memref<!tpu.dma_semaphore, #tpu.memory_space<semaphore_mem>>) src(%dma_wait3A_31 : memref<79x128xi32, #tpu.memory_space<hbm>>) dst(%arg7 : memref<79x128xi32, #tpu.memory_space<vmem>>)
      tpu.yield
    }) : () -> ()
    "tpu.region"() ({
      %run_scoped3A = tpu.sem_alloc : memref<!tpu.dma_semaphore, #tpu.memory_space<semaphore_mem>>
      %dma_start3A = arith.constant 0 : i32
      %dma_start3A_18 = arith.constant 0 : i32
      %dma_start3A_19 = tpu.memref_slice %arg4[%add3A, %dma_start3A, %dma_start3A_18] : memref<32x79x128xi32, #tpu.memory_space<hbm>> -> memref<1x79x128xi32, #tpu.memory_space<hbm>>
      %dma_start3A_20 = tpu.memref_squeeze %dma_start3A_19 : memref<1x79x128xi32, #tpu.memory_space<hbm>> -> memref<79x128xi32, #tpu.memory_space<hbm>>
      %dma_start3A_21 = arith.constant 0 : i32
      %dma_start3A_22 = arith.constant 0 : i32
      %dma_start3A_23 = tpu.memref_slice %arg4[%add3A, %dma_start3A_21, %dma_start3A_22] : memref<32x79x128xi32, #tpu.memory_space<hbm>> -> memref<1x79x128xi32, #tpu.memory_space<hbm>>
      %dma_start3A_24 = tpu.memref_squeeze %dma_start3A_23 : memref<1x79x128xi32, #tpu.memory_space<hbm>> -> memref<79x128xi32, #tpu.memory_space<hbm>>
      tpu.enqueue_dma source(%dma_start3A_24 : memref<79x128xi32, #tpu.memory_space<hbm>>) target(%arg8 : memref<79x128xi32, #tpu.memory_space<vmem>>) target_semaphore(%run_scoped3A : memref<!tpu.dma_semaphore, #tpu.memory_space<semaphore_mem>>)
      %dma_wait3A = arith.constant 0 : i32
      %dma_wait3A_25 = arith.constant 0 : i32
      %dma_wait3A_26 = tpu.memref_slice %arg4[%add3A, %dma_wait3A, %dma_wait3A_25] : memref<32x79x128xi32, #tpu.memory_space<hbm>> -> memref<1x79x128xi32, #tpu.memory_space<hbm>>
      %dma_wait3A_27 = tpu.memref_squeeze %dma_wait3A_26 : memref<1x79x128xi32, #tpu.memory_space<hbm>> -> memref<79x128xi32, #tpu.memory_space<hbm>>
      %dma_wait3A_28 = arith.constant 0 : i32
      %dma_wait3A_29 = arith.constant 0 : i32
      %dma_wait3A_30 = tpu.memref_slice %arg4[%add3A, %dma_wait3A_28, %dma_wait3A_29] : memref<32x79x128xi32, #tpu.memory_space<hbm>> -> memref<1x79x128xi32, #tpu.memory_space<hbm>>
      %dma_wait3A_31 = tpu.memref_squeeze %dma_wait3A_30 : memref<1x79x128xi32, #tpu.memory_space<hbm>> -> memref<79x128xi32, #tpu.memory_space<hbm>>
      tpu.wait_dma2 semaphore(%run_scoped3A : memref<!tpu.dma_semaphore, #tpu.memory_space<semaphore_mem>>) src(%dma_wait3A_31 : memref<79x128xi32, #tpu.memory_space<hbm>>) dst(%arg8 : memref<79x128xi32, #tpu.memory_space<vmem>>)
      tpu.yield
    }) : () -> ()
    %barrier3A = arith.constant 0 : index
    tpu.barrier barrier_id(%barrier3A)
    %scan3A_7 = arith.constant 0 : i32
    %scan3A_8 = arith.constant 79 : i32
    %scan3A_9 = arith.addi %scan3A_7, %scan3A_8 : i32
    %scan3A_10 = arith.constant 1 : i32
    scf.for %scan3A_18 = %scan3A_7 to %scan3A_9 step %scan3A_10  : i32 {
      %mul3A_19 = arith.constant 1 : i32
      %mul3A_20 = arith.muli %scan3A_18, %mul3A_19 : i32
      %add3A_21 = arith.constant 0 : i32
      %add3A_22 = arith.addi %add3A_21, %mul3A_20 : i32
      %dma_start3A = arith.constant 0 : i32
      %dma_start3A_23 = tpu.memref_slice %arg7[%add3A_22, %dma_start3A] : memref<79x128xi32, #tpu.memory_space<vmem>> -> memref<1x128xi32, #tpu.memory_space<vmem>>
      %dma_start3A_24 = tpu.memref_squeeze %dma_start3A_23 : memref<1x128xi32, #tpu.memory_space<vmem>> -> memref<128xi32, #tpu.memory_space<vmem>>
      %dma_start3A_25 = arith.constant 0 : i32
      %dma_start3A_26 = arith.constant 0 : i32
      %dma_start3A_27 = tpu.memref_slice %arg2[%dma_start3A_25, %dma_start3A_26] : memref<10240x128xf32, #tpu.memory_space<hbm>> -> memref<10240x128xf32, #tpu.memory_space<hbm>>
      tpu.enqueue_indirect_dma source(%dma_start3A_27 : memref<10240x128xf32, #tpu.memory_space<hbm>>) target(%arg9 : memref<128x128xf32, #tpu.memory_space<vmem>>) offsets(%dma_start3A_24 : memref<128xi32, #tpu.memory_space<vmem>>) semaphore(%arg11 : memref<!tpu.dma_semaphore, #tpu.memory_space<semaphore_mem>>)
      %dma_wait3A = arith.constant 0 : i32
      %dma_wait3A_28 = tpu.memref_slice %arg7[%add3A_22, %dma_wait3A] : memref<79x128xi32, #tpu.memory_space<vmem>> -> memref<1x128xi32, #tpu.memory_space<vmem>>
      %dma_wait3A_29 = tpu.memref_squeeze %dma_wait3A_28 : memref<1x128xi32, #tpu.memory_space<vmem>> -> memref<128xi32, #tpu.memory_space<vmem>>
      %dma_wait3A_30 = arith.constant 0 : i32
      %dma_wait3A_31 = arith.constant 0 : i32
      %dma_wait3A_32 = tpu.memref_slice %arg2[%dma_wait3A_30, %dma_wait3A_31] : memref<10240x128xf32, #tpu.memory_space<hbm>> -> memref<10240x128xf32, #tpu.memory_space<hbm>>
      tpu.wait_indirect_dma semaphore(%arg11 : memref<!tpu.dma_semaphore, #tpu.memory_space<semaphore_mem>>) src(%dma_wait3A_32 : memref<10240x128xf32, #tpu.memory_space<hbm>>) dst(%arg9 : memref<128x128xf32, #tpu.memory_space<vmem>>)
      "tpu.region"() ({
        %run_scoped3A = tpu.sem_alloc : memref<!tpu.dma_semaphore, #tpu.memory_space<semaphore_mem>>
        %dma_start3A_33 = arith.constant 0 : i32
        %dma_start3A_34 = tpu.memref_slice %arg8[%add3A_22, %dma_start3A_33] : memref<79x128xi32, #tpu.memory_space<vmem>> -> memref<1x128xi32, #tpu.memory_space<vmem>>
        %dma_start3A_35 = tpu.memref_squeeze %dma_start3A_34 : memref<1x128xi32, #tpu.memory_space<vmem>> -> memref<128xi32, #tpu.memory_space<vmem>>
        %dma_start3A_36 = arith.constant 0 : i32
        %dma_start3A_37 = arith.constant 0 : i32
        %dma_start3A_38 = tpu.memref_slice %arg10[%dma_start3A_36, %dma_start3A_37] : memref<10240x128xf32, #tpu.memory_space<vmem_shared>> -> memref<10240x128xf32, #tpu.memory_space<vmem_shared>>
        tpu.enqueue_indirect_dma source(%arg9 : memref<128x128xf32, #tpu.memory_space<vmem>>) target(%dma_start3A_38 : memref<10240x128xf32, #tpu.memory_space<vmem_shared>>) offsets(%dma_start3A_35 : memref<128xi32, #tpu.memory_space<vmem>>) semaphore(%run_scoped3A : memref<!tpu.dma_semaphore, #tpu.memory_space<semaphore_mem>>) {add = true}
        %dma_wait3A_39 = arith.constant 0 : i32
        %dma_wait3A_40 = tpu.memref_slice %arg8[%add3A_22, %dma_wait3A_39] : memref<79x128xi32, #tpu.memory_space<vmem>> -> memref<1x128xi32, #tpu.memory_space<vmem>>
        %dma_wait3A_41 = tpu.memref_squeeze %dma_wait3A_40 : memref<1x128xi32, #tpu.memory_space<vmem>> -> memref<128xi32, #tpu.memory_space<vmem>>
        %dma_wait3A_42 = arith.constant 0 : i32
        %dma_wait3A_43 = arith.constant 0 : i32
        %dma_wait3A_44 = tpu.memref_slice %arg10[%dma_wait3A_42, %dma_wait3A_43] : memref<10240x128xf32, #tpu.memory_space<vmem_shared>> -> memref<10240x128xf32, #tpu.memory_space<vmem_shared>>
        tpu.wait_indirect_dma semaphore(%run_scoped3A : memref<!tpu.dma_semaphore, #tpu.memory_space<semaphore_mem>>) src(%arg9 : memref<128x128xf32, #tpu.memory_space<vmem>>) dst(%dma_wait3A_44 : memref<10240x128xf32, #tpu.memory_space<vmem_shared>>)
        tpu.yield
      }) : () -> ()
    }
    %scan3A_11 = arith.constant 79 : i32
    %barrier3A_12 = arith.constant 0 : index
    tpu.barrier barrier_id(%barrier3A_12)
    %scan3A_13 = arith.constant 0 : i32
    %scan3A_14 = arith.constant 5 : i32
    %scan3A_15 = arith.addi %scan3A_13, %scan3A_14 : i32
    %scan3A_16 = arith.constant 1 : i32
    scf.for %scan3A_18 = %scan3A_13 to %scan3A_15 step %scan3A_16  : i32 {
      %mul3A_19 = arith.constant 1 : i32
      %mul3A_20 = arith.muli %scan3A_18, %mul3A_19 : i32
      %add3A_21 = arith.constant 0 : i32
      %add3A_22 = arith.addi %add3A_21, %mul3A_20 : i32
      %mul3A_23 = arith.constant 128 : i32
      %mul3A_24 = arith.muli %add3A_22, %mul3A_23 : i32
      %add3A_25 = arith.addi %mul3A_2, %mul3A_24 : i32
      "tpu.region"() ({
        %run_scoped3A = tpu.sem_alloc : memref<!tpu.dma_semaphore, #tpu.memory_space<semaphore_mem>>
        %dma_start3A = arith.constant 0 : i32
        %dma_start3A_29 = tpu.memref_slice %arg10[%add3A_25, %dma_start3A] : memref<10240x128xf32, #tpu.memory_space<vmem_shared>> -> memref<128x128xf32, #tpu.memory_space<vmem_shared>>
        %dma_start3A_30 = arith.constant 0 : i32
        %dma_start3A_31 = tpu.memref_slice %arg10[%add3A_25, %dma_start3A_30] : memref<10240x128xf32, #tpu.memory_space<vmem_shared>> -> memref<128x128xf32, #tpu.memory_space<vmem_shared>>
        tpu.enqueue_dma source(%dma_start3A_31 : memref<128x128xf32, #tpu.memory_space<vmem_shared>>) target(%arg9 : memref<128x128xf32, #tpu.memory_space<vmem>>) target_semaphore(%run_scoped3A : memref<!tpu.dma_semaphore, #tpu.memory_space<semaphore_mem>>)
        %dma_wait3A = arith.constant 0 : i32
        %dma_wait3A_32 = tpu.memref_slice %arg10[%add3A_25, %dma_wait3A] : memref<10240x128xf32, #tpu.memory_space<vmem_shared>> -> memref<128x128xf32, #tpu.memory_space<vmem_shared>>
        %dma_wait3A_33 = arith.constant 0 : i32
        %dma_wait3A_34 = tpu.memref_slice %arg10[%add3A_25, %dma_wait3A_33] : memref<10240x128xf32, #tpu.memory_space<vmem_shared>> -> memref<128x128xf32, #tpu.memory_space<vmem_shared>>
        tpu.wait_dma2 semaphore(%run_scoped3A : memref<!tpu.dma_semaphore, #tpu.memory_space<semaphore_mem>>) src(%dma_wait3A_34 : memref<128x128xf32, #tpu.memory_space<vmem_shared>>) dst(%arg9 : memref<128x128xf32, #tpu.memory_space<vmem>>)
        tpu.yield
      }) : () -> ()
      %mul3A_26 = arith.constant 128 : i32
      %mul3A_27 = arith.muli %add3A_22, %mul3A_26 : i32
      %add3A_28 = arith.addi %mul3A_2, %mul3A_27 : i32
      "tpu.region"() ({
        %run_scoped3A = tpu.sem_alloc : memref<!tpu.dma_semaphore, #tpu.memory_space<semaphore_mem>>
        %dma_start3A = arith.constant 0 : i32
        %dma_start3A_29 = tpu.memref_slice %arg6[%arg0, %add3A_28, %dma_start3A] : memref<2x10240x128xf32, #tpu.memory_space<hbm>> -> memref<1x128x128xf32, #tpu.memory_space<hbm>>
        %dma_start3A_30 = tpu.memref_squeeze %dma_start3A_29 : memref<1x128x128xf32, #tpu.memory_space<hbm>> -> memref<128x128xf32, #tpu.memory_space<hbm>>
        %dma_start3A_31 = arith.constant 0 : i32
        %dma_start3A_32 = tpu.memref_slice %arg6[%arg0, %add3A_28, %dma_start3A_31] : memref<2x10240x128xf32, #tpu.memory_space<hbm>> -> memref<1x128x128xf32, #tpu.memory_space<hbm>>
        %dma_start3A_33 = tpu.memref_squeeze %dma_start3A_32 : memref<1x128x128xf32, #tpu.memory_space<hbm>> -> memref<128x128xf32, #tpu.memory_space<hbm>>
        tpu.enqueue_dma source(%arg9 : memref<128x128xf32, #tpu.memory_space<vmem>>) target(%dma_start3A_33 : memref<128x128xf32, #tpu.memory_space<hbm>>) target_semaphore(%run_scoped3A : memref<!tpu.dma_semaphore, #tpu.memory_space<semaphore_mem>>)
        %dma_wait3A = arith.constant 0 : i32
        %dma_wait3A_34 = tpu.memref_slice %arg6[%arg0, %add3A_28, %dma_wait3A] : memref<2x10240x128xf32, #tpu.memory_space<hbm>> -> memref<1x128x128xf32, #tpu.memory_space<hbm>>
        %dma_wait3A_35 = tpu.memref_squeeze %dma_wait3A_34 : memref<1x128x128xf32, #tpu.memory_space<hbm>> -> memref<128x128xf32, #tpu.memory_space<hbm>>
        %dma_wait3A_36 = arith.constant 0 : i32
        %dma_wait3A_37 = tpu.memref_slice %arg6[%arg0, %add3A_28, %dma_wait3A_36] : memref<2x10240x128xf32, #tpu.memory_space<hbm>> -> memref<1x128x128xf32, #tpu.memory_space<hbm>>
        %dma_wait3A_38 = tpu.memref_squeeze %dma_wait3A_37 : memref<1x128x128xf32, #tpu.memory_space<hbm>> -> memref<128x128xf32, #tpu.memory_space<hbm>>
        tpu.wait_dma2 semaphore(%run_scoped3A : memref<!tpu.dma_semaphore, #tpu.memory_space<semaphore_mem>>) src(%arg9 : memref<128x128xf32, #tpu.memory_space<vmem>>) dst(%dma_wait3A_38 : memref<128x128xf32, #tpu.memory_space<hbm>>)
        tpu.yield
      }) : () -> ()
    }
    %scan3A_17 = arith.constant 5 : i32
    return
  }
}

#map = affine_map<(d0, d1) -> (0, 0, 0)>
#map1 = affine_map<(d0, d1) -> (0, 0)>
module attributes {stable_mosaic.version = 14 : i64} {
  func.func @k(%arg0: i32, %arg1: i32, %arg2: memref<32x79x128xi32, #tpu.memory_space<hbm>>, %arg3: memref<128x128xf32, #tpu.memory_space<hbm>>, %arg4: memref<128x128xf32, #tpu.memory_space<hbm>>, %arg5: memref<2x10240x128xf32, #tpu.memory_space<hbm>>, %arg6: memref<79x128xi32, #tpu.memory_space<vmem>>, %arg7: memref<128x128xf32, #tpu.memory_space<vmem>>, %arg8: memref<128x128xf32, #tpu.memory_space<vmem>>, %arg9: memref<10240x128xf32, #tpu.memory_space<vmem_shared>>) attributes {dimension_semantics = [#tpu.dimension_semantics<core_parallel>, #tpu.dimension_semantics<subcore_parallel>], iteration_bounds = array<i64: 2, 16>, scalar_prefetch = 0 : i64, scratch_operands = 4 : i64, tpu.core_type = #tpu.core_type<sc_vector_subcore>, window_params = [{transform_indices = #map}, {transform_indices = #map1}, {transform_indices = #map1}, {transform_indices = #map}]} {
    %mul3A = arith.constant 2 : i32
    %mul3A_0 = arith.muli %arg1, %mul3A : i32
    %add3A = arith.addi %mul3A_0, %arg0 : i32
    %mul3A_1 = arith.constant 640 : i32
    %mul3A_2 = arith.muli %arg1, %mul3A_1 : i32
    "tpu.region"() ({
      %run_scoped3A = tpu.sem_alloc : memref<!tpu.dma_semaphore, #tpu.memory_space<semaphore_mem>>
      tpu.enqueue_dma source(%arg4 : memref<128x128xf32, #tpu.memory_space<hbm>>) target(%arg8 : memref<128x128xf32, #tpu.memory_space<vmem>>) target_semaphore(%run_scoped3A : memref<!tpu.dma_semaphore, #tpu.memory_space<semaphore_mem>>)
      tpu.wait_dma2 semaphore(%run_scoped3A : memref<!tpu.dma_semaphore, #tpu.memory_space<semaphore_mem>>) src(%arg4 : memref<128x128xf32, #tpu.memory_space<hbm>>) dst(%arg8 : memref<128x128xf32, #tpu.memory_space<vmem>>)
      tpu.yield
    }) : () -> ()
    %scan3A = arith.constant 0 : i32
    %scan3A_3 = arith.constant 5 : i32
    %scan3A_4 = arith.addi %scan3A, %scan3A_3 : i32
    %scan3A_5 = arith.constant 1 : i32
    scf.for %scan3A_18 = %scan3A to %scan3A_4 step %scan3A_5  : i32 {
      %mul3A_19 = arith.constant 1 : i32
      %mul3A_20 = arith.muli %scan3A_18, %mul3A_19 : i32
      %add3A_21 = arith.constant 0 : i32
      %add3A_22 = arith.addi %add3A_21, %mul3A_20 : i32
      %mul3A_23 = arith.constant 128 : i32
      %mul3A_24 = arith.muli %add3A_22, %mul3A_23 : i32
      %add3A_25 = arith.addi %mul3A_2, %mul3A_24 : i32
      "tpu.region"() ({
        %run_scoped3A = tpu.sem_alloc : memref<!tpu.dma_semaphore, #tpu.memory_space<semaphore_mem>>
        %dma_start3A = arith.constant 0 : i32
        %dma_start3A_26 = tpu.memref_slice %arg9[%add3A_25, %dma_start3A] : memref<10240x128xf32, #tpu.memory_space<vmem_shared>> -> memref<128x128xf32, #tpu.memory_space<vmem_shared>>
        %dma_start3A_27 = arith.constant 0 : i32
        %dma_start3A_28 = tpu.memref_slice %arg9[%add3A_25, %dma_start3A_27] : memref<10240x128xf32, #tpu.memory_space<vmem_shared>> -> memref<128x128xf32, #tpu.memory_space<vmem_shared>>
        tpu.enqueue_dma source(%arg8 : memref<128x128xf32, #tpu.memory_space<vmem>>) target(%dma_start3A_28 : memref<128x128xf32, #tpu.memory_space<vmem_shared>>) target_semaphore(%run_scoped3A : memref<!tpu.dma_semaphore, #tpu.memory_space<semaphore_mem>>)
        %dma_wait3A = arith.constant 0 : i32
        %dma_wait3A_29 = tpu.memref_slice %arg9[%add3A_25, %dma_wait3A] : memref<10240x128xf32, #tpu.memory_space<vmem_shared>> -> memref<128x128xf32, #tpu.memory_space<vmem_shared>>
        %dma_wait3A_30 = arith.constant 0 : i32
        %dma_wait3A_31 = tpu.memref_slice %arg9[%add3A_25, %dma_wait3A_30] : memref<10240x128xf32, #tpu.memory_space<vmem_shared>> -> memref<128x128xf32, #tpu.memory_space<vmem_shared>>
        tpu.wait_dma2 semaphore(%run_scoped3A : memref<!tpu.dma_semaphore, #tpu.memory_space<semaphore_mem>>) src(%arg8 : memref<128x128xf32, #tpu.memory_space<vmem>>) dst(%dma_wait3A_31 : memref<128x128xf32, #tpu.memory_space<vmem_shared>>)
        tpu.yield
      }) : () -> ()
    }
    %scan3A_6 = arith.constant 5 : i32
    "tpu.region"() ({
      %run_scoped3A = tpu.sem_alloc : memref<!tpu.dma_semaphore, #tpu.memory_space<semaphore_mem>>
      tpu.enqueue_dma source(%arg3 : memref<128x128xf32, #tpu.memory_space<hbm>>) target(%arg7 : memref<128x128xf32, #tpu.memory_space<vmem>>) target_semaphore(%run_scoped3A : memref<!tpu.dma_semaphore, #tpu.memory_space<semaphore_mem>>)
      tpu.wait_dma2 semaphore(%run_scoped3A : memref<!tpu.dma_semaphore, #tpu.memory_space<semaphore_mem>>) src(%arg3 : memref<128x128xf32, #tpu.memory_space<hbm>>) dst(%arg7 : memref<128x128xf32, #tpu.memory_space<vmem>>)
      tpu.yield
    }) : () -> ()
    "tpu.region"() ({
      %run_scoped3A = tpu.sem_alloc : memref<!tpu.dma_semaphore, #tpu.memory_space<semaphore_mem>>
      %dma_start3A = arith.constant 0 : i32
      %dma_start3A_18 = arith.constant 0 : i32
      %dma_start3A_19 = tpu.memref_slice %arg2[%add3A, %dma_start3A, %dma_start3A_18] : memref<32x79x128xi32, #tpu.memory_space<hbm>> -> memref<1x79x128xi32, #tpu.memory_space<hbm>>
      %dma_start3A_20 = tpu.memref_squeeze %dma_start3A_19 : memref<1x79x128xi32, #tpu.memory_space<hbm>> -> memref<79x128xi32, #tpu.memory_space<hbm>>
      %dma_start3A_21 = arith.constant 0 : i32
      %dma_start3A_22 = arith.constant 0 : i32
      %dma_start3A_23 = tpu.memref_slice %arg2[%add3A, %dma_start3A_21, %dma_start3A_22] : memref<32x79x128xi32, #tpu.memory_space<hbm>> -> memref<1x79x128xi32, #tpu.memory_space<hbm>>
      %dma_start3A_24 = tpu.memref_squeeze %dma_start3A_23 : memref<1x79x128xi32, #tpu.memory_space<hbm>> -> memref<79x128xi32, #tpu.memory_space<hbm>>
      tpu.enqueue_dma source(%dma_start3A_24 : memref<79x128xi32, #tpu.memory_space<hbm>>) target(%arg6 : memref<79x128xi32, #tpu.memory_space<vmem>>) target_semaphore(%run_scoped3A : memref<!tpu.dma_semaphore, #tpu.memory_space<semaphore_mem>>)
      %dma_wait3A = arith.constant 0 : i32
      %dma_wait3A_25 = arith.constant 0 : i32
      %dma_wait3A_26 = tpu.memref_slice %arg2[%add3A, %dma_wait3A, %dma_wait3A_25] : memref<32x79x128xi32, #tpu.memory_space<hbm>> -> memref<1x79x128xi32, #tpu.memory_space<hbm>>
      %dma_wait3A_27 = tpu.memref_squeeze %dma_wait3A_26 : memref<1x79x128xi32, #tpu.memory_space<hbm>> -> memref<79x128xi32, #tpu.memory_space<hbm>>
      %dma_wait3A_28 = arith.constant 0 : i32
      %dma_wait3A_29 = arith.constant 0 : i32
      %dma_wait3A_30 = tpu.memref_slice %arg2[%add3A, %dma_wait3A_28, %dma_wait3A_29] : memref<32x79x128xi32, #tpu.memory_space<hbm>> -> memref<1x79x128xi32, #tpu.memory_space<hbm>>
      %dma_wait3A_31 = tpu.memref_squeeze %dma_wait3A_30 : memref<1x79x128xi32, #tpu.memory_space<hbm>> -> memref<79x128xi32, #tpu.memory_space<hbm>>
      tpu.wait_dma2 semaphore(%run_scoped3A : memref<!tpu.dma_semaphore, #tpu.memory_space<semaphore_mem>>) src(%dma_wait3A_31 : memref<79x128xi32, #tpu.memory_space<hbm>>) dst(%arg6 : memref<79x128xi32, #tpu.memory_space<vmem>>)
      tpu.yield
    }) : () -> ()
    %barrier3A = arith.constant 0 : index
    tpu.barrier barrier_id(%barrier3A)
    %scan3A_7 = arith.constant 0 : i32
    %scan3A_8 = arith.constant 79 : i32
    %scan3A_9 = arith.addi %scan3A_7, %scan3A_8 : i32
    %scan3A_10 = arith.constant 1 : i32
    scf.for %scan3A_18 = %scan3A_7 to %scan3A_9 step %scan3A_10  : i32 {
      %mul3A_19 = arith.constant 1 : i32
      %mul3A_20 = arith.muli %scan3A_18, %mul3A_19 : i32
      %add3A_21 = arith.constant 0 : i32
      %add3A_22 = arith.addi %add3A_21, %mul3A_20 : i32
      "tpu.region"() ({
        %run_scoped3A = tpu.sem_alloc : memref<!tpu.dma_semaphore, #tpu.memory_space<semaphore_mem>>
        %dma_start3A = arith.constant 0 : i32
        %dma_start3A_23 = tpu.memref_slice %arg6[%add3A_22, %dma_start3A] : memref<79x128xi32, #tpu.memory_space<vmem>> -> memref<1x128xi32, #tpu.memory_space<vmem>>
        %dma_start3A_24 = tpu.memref_squeeze %dma_start3A_23 : memref<1x128xi32, #tpu.memory_space<vmem>> -> memref<128xi32, #tpu.memory_space<vmem>>
        %dma_start3A_25 = arith.constant 0 : i32
        %dma_start3A_26 = arith.constant 0 : i32
        %dma_start3A_27 = tpu.memref_slice %arg9[%dma_start3A_25, %dma_start3A_26] : memref<10240x128xf32, #tpu.memory_space<vmem_shared>> -> memref<10240x128xf32, #tpu.memory_space<vmem_shared>>
        tpu.enqueue_indirect_dma source(%arg7 : memref<128x128xf32, #tpu.memory_space<vmem>>) target(%dma_start3A_27 : memref<10240x128xf32, #tpu.memory_space<vmem_shared>>) offsets(%dma_start3A_24 : memref<128xi32, #tpu.memory_space<vmem>>) semaphore(%run_scoped3A : memref<!tpu.dma_semaphore, #tpu.memory_space<semaphore_mem>>) {add = true}
        %dma_wait3A = arith.constant 0 : i32
        %dma_wait3A_28 = tpu.memref_slice %arg6[%add3A_22, %dma_wait3A] : memref<79x128xi32, #tpu.memory_space<vmem>> -> memref<1x128xi32, #tpu.memory_space<vmem>>
        %dma_wait3A_29 = tpu.memref_squeeze %dma_wait3A_28 : memref<1x128xi32, #tpu.memory_space<vmem>> -> memref<128xi32, #tpu.memory_space<vmem>>
        %dma_wait3A_30 = arith.constant 0 : i32
        %dma_wait3A_31 = arith.constant 0 : i32
        %dma_wait3A_32 = tpu.memref_slice %arg9[%dma_wait3A_30, %dma_wait3A_31] : memref<10240x128xf32, #tpu.memory_space<vmem_shared>> -> memref<10240x128xf32, #tpu.memory_space<vmem_shared>>
        tpu.wait_indirect_dma semaphore(%run_scoped3A : memref<!tpu.dma_semaphore, #tpu.memory_space<semaphore_mem>>) src(%arg7 : memref<128x128xf32, #tpu.memory_space<vmem>>) dst(%dma_wait3A_32 : memref<10240x128xf32, #tpu.memory_space<vmem_shared>>)
        tpu.yield
      }) : () -> ()
    }
    %scan3A_11 = arith.constant 79 : i32
    %barrier3A_12 = arith.constant 0 : index
    tpu.barrier barrier_id(%barrier3A_12)
    %scan3A_13 = arith.constant 0 : i32
    %scan3A_14 = arith.constant 5 : i32
    %scan3A_15 = arith.addi %scan3A_13, %scan3A_14 : i32
    %scan3A_16 = arith.constant 1 : i32
    scf.for %scan3A_18 = %scan3A_13 to %scan3A_15 step %scan3A_16  : i32 {
      %mul3A_19 = arith.constant 1 : i32
      %mul3A_20 = arith.muli %scan3A_18, %mul3A_19 : i32
      %add3A_21 = arith.constant 0 : i32
      %add3A_22 = arith.addi %add3A_21, %mul3A_20 : i32
      %mul3A_23 = arith.constant 128 : i32
      %mul3A_24 = arith.muli %add3A_22, %mul3A_23 : i32
      %add3A_25 = arith.addi %mul3A_2, %mul3A_24 : i32
      "tpu.region"() ({
        %run_scoped3A = tpu.sem_alloc : memref<!tpu.dma_semaphore, #tpu.memory_space<semaphore_mem>>
        %dma_start3A = arith.constant 0 : i32
        %dma_start3A_29 = tpu.memref_slice %arg9[%add3A_25, %dma_start3A] : memref<10240x128xf32, #tpu.memory_space<vmem_shared>> -> memref<128x128xf32, #tpu.memory_space<vmem_shared>>
        %dma_start3A_30 = arith.constant 0 : i32
        %dma_start3A_31 = tpu.memref_slice %arg9[%add3A_25, %dma_start3A_30] : memref<10240x128xf32, #tpu.memory_space<vmem_shared>> -> memref<128x128xf32, #tpu.memory_space<vmem_shared>>
        tpu.enqueue_dma source(%dma_start3A_31 : memref<128x128xf32, #tpu.memory_space<vmem_shared>>) target(%arg8 : memref<128x128xf32, #tpu.memory_space<vmem>>) target_semaphore(%run_scoped3A : memref<!tpu.dma_semaphore, #tpu.memory_space<semaphore_mem>>)
        %dma_wait3A = arith.constant 0 : i32
        %dma_wait3A_32 = tpu.memref_slice %arg9[%add3A_25, %dma_wait3A] : memref<10240x128xf32, #tpu.memory_space<vmem_shared>> -> memref<128x128xf32, #tpu.memory_space<vmem_shared>>
        %dma_wait3A_33 = arith.constant 0 : i32
        %dma_wait3A_34 = tpu.memref_slice %arg9[%add3A_25, %dma_wait3A_33] : memref<10240x128xf32, #tpu.memory_space<vmem_shared>> -> memref<128x128xf32, #tpu.memory_space<vmem_shared>>
        tpu.wait_dma2 semaphore(%run_scoped3A : memref<!tpu.dma_semaphore, #tpu.memory_space<semaphore_mem>>) src(%dma_wait3A_34 : memref<128x128xf32, #tpu.memory_space<vmem_shared>>) dst(%arg8 : memref<128x128xf32, #tpu.memory_space<vmem>>)
        tpu.yield
      }) : () -> ()
      %mul3A_26 = arith.constant 128 : i32
      %mul3A_27 = arith.muli %add3A_22, %mul3A_26 : i32
      %add3A_28 = arith.addi %mul3A_2, %mul3A_27 : i32
      "tpu.region"() ({
        %run_scoped3A = tpu.sem_alloc : memref<!tpu.dma_semaphore, #tpu.memory_space<semaphore_mem>>
        %dma_start3A = arith.constant 0 : i32
        %dma_start3A_29 = tpu.memref_slice %arg5[%arg0, %add3A_28, %dma_start3A] : memref<2x10240x128xf32, #tpu.memory_space<hbm>> -> memref<1x128x128xf32, #tpu.memory_space<hbm>>
        %dma_start3A_30 = tpu.memref_squeeze %dma_start3A_29 : memref<1x128x128xf32, #tpu.memory_space<hbm>> -> memref<128x128xf32, #tpu.memory_space<hbm>>
        %dma_start3A_31 = arith.constant 0 : i32
        %dma_start3A_32 = tpu.memref_slice %arg5[%arg0, %add3A_28, %dma_start3A_31] : memref<2x10240x128xf32, #tpu.memory_space<hbm>> -> memref<1x128x128xf32, #tpu.memory_space<hbm>>
        %dma_start3A_33 = tpu.memref_squeeze %dma_start3A_32 : memref<1x128x128xf32, #tpu.memory_space<hbm>> -> memref<128x128xf32, #tpu.memory_space<hbm>>
        tpu.enqueue_dma source(%arg8 : memref<128x128xf32, #tpu.memory_space<vmem>>) target(%dma_start3A_33 : memref<128x128xf32, #tpu.memory_space<hbm>>) target_semaphore(%run_scoped3A : memref<!tpu.dma_semaphore, #tpu.memory_space<semaphore_mem>>)
        %dma_wait3A = arith.constant 0 : i32
        %dma_wait3A_34 = tpu.memref_slice %arg5[%arg0, %add3A_28, %dma_wait3A] : memref<2x10240x128xf32, #tpu.memory_space<hbm>> -> memref<1x128x128xf32, #tpu.memory_space<hbm>>
        %dma_wait3A_35 = tpu.memref_squeeze %dma_wait3A_34 : memref<1x128x128xf32, #tpu.memory_space<hbm>> -> memref<128x128xf32, #tpu.memory_space<hbm>>
        %dma_wait3A_36 = arith.constant 0 : i32
        %dma_wait3A_37 = tpu.memref_slice %arg5[%arg0, %add3A_28, %dma_wait3A_36] : memref<2x10240x128xf32, #tpu.memory_space<hbm>> -> memref<1x128x128xf32, #tpu.memory_space<hbm>>
        %dma_wait3A_38 = tpu.memref_squeeze %dma_wait3A_37 : memref<1x128x128xf32, #tpu.memory_space<hbm>> -> memref<128x128xf32, #tpu.memory_space<hbm>>
        tpu.wait_dma2 semaphore(%run_scoped3A : memref<!tpu.dma_semaphore, #tpu.memory_space<semaphore_mem>>) src(%arg8 : memref<128x128xf32, #tpu.memory_space<vmem>>) dst(%dma_wait3A_38 : memref<128x128xf32, #tpu.memory_space<hbm>>)
        tpu.yield
      }) : () -> ()
    }
    %scan3A_17 = arith.constant 5 : i32
    return
  }
}

#map = affine_map<(d0, d1) -> (0, 0)>
#map1 = affine_map<(d0, d1) -> (0, 0, 0)>
module attributes {stable_mosaic.version = 14 : i64} {
  func.func @k(%arg0: i32, %arg1: i32, %arg2: memref<10240x128xf32, #tpu.memory_space<hbm>>, %arg3: memref<32x79x128xi32, #tpu.memory_space<hbm>>, %arg4: memref<32x79x128xi32, #tpu.memory_space<hbm>>, %arg5: memref<128x128xf32, #tpu.memory_space<hbm>>, %arg6: memref<2x10240x128xf32, #tpu.memory_space<hbm>>, %arg7: memref<79x128xi32, #tpu.memory_space<vmem>>, %arg8: memref<79x128xi32, #tpu.memory_space<vmem>>, %arg9: memref<128x128xf32, #tpu.memory_space<vmem>>, %arg10: memref<10240x128xf32, #tpu.memory_space<vmem_shared>>, %arg11: memref<!tpu.dma_semaphore, #tpu.memory_space<semaphore_mem>>) attributes {dimension_semantics = [#tpu.dimension_semantics<core_parallel>, #tpu.dimension_semantics<subcore_parallel>], iteration_bounds = array<i64: 2, 16>, scalar_prefetch = 0 : i64, scratch_operands = 5 : i64, tpu.core_type = #tpu.core_type<sc_vector_subcore>, window_params = [{transform_indices = #map}, {transform_indices = #map1}, {transform_indices = #map1}, {transform_indices = #map}, {transform_indices = #map1}]} {
    %mul3A = arith.constant 2 : i32
    %mul3A_0 = arith.muli %arg1, %mul3A : i32
    %add3A = arith.addi %mul3A_0, %arg0 : i32
    %mul3A_1 = arith.constant 640 : i32
    %mul3A_2 = arith.muli %arg1, %mul3A_1 : i32
    "tpu.region"() ({
      %run_scoped3A = tpu.sem_alloc : memref<!tpu.dma_semaphore, #tpu.memory_space<semaphore_mem>>
      tpu.enqueue_dma source(%arg5 : memref<128x128xf32, #tpu.memory_space<hbm>>) target(%arg9 : memref<128x128xf32, #tpu.memory_space<vmem>>) target_semaphore(%run_scoped3A : memref<!tpu.dma_semaphore, #tpu.memory_space<semaphore_mem>>)
      tpu.wait_dma2 semaphore(%run_scoped3A : memref<!tpu.dma_semaphore, #tpu.memory_space<semaphore_mem>>) src(%arg5 : memref<128x128xf32, #tpu.memory_space<hbm>>) dst(%arg9 : memref<128x128xf32, #tpu.memory_space<vmem>>)
      tpu.yield
    }) : () -> ()
    %scan3A = arith.constant 0 : i32
    %scan3A_3 = arith.constant 5 : i32
    %scan3A_4 = arith.addi %scan3A, %scan3A_3 : i32
    %scan3A_5 = arith.constant 1 : i32
    scf.for %scan3A_18 = %scan3A to %scan3A_4 step %scan3A_5  : i32 {
      %mul3A_19 = arith.constant 1 : i32
      %mul3A_20 = arith.muli %scan3A_18, %mul3A_19 : i32
      %add3A_21 = arith.constant 0 : i32
      %add3A_22 = arith.addi %add3A_21, %mul3A_20 : i32
      %mul3A_23 = arith.constant 128 : i32
      %mul3A_24 = arith.muli %add3A_22, %mul3A_23 : i32
      %add3A_25 = arith.addi %mul3A_2, %mul3A_24 : i32
      "tpu.region"() ({
        %run_scoped3A = tpu.sem_alloc : memref<!tpu.dma_semaphore, #tpu.memory_space<semaphore_mem>>
        %dma_start3A = arith.constant 0 : i32
        %dma_start3A_26 = tpu.memref_slice %arg10[%add3A_25, %dma_start3A] : memref<10240x128xf32, #tpu.memory_space<vmem_shared>> -> memref<128x128xf32, #tpu.memory_space<vmem_shared>>
        %dma_start3A_27 = arith.constant 0 : i32
        %dma_start3A_28 = tpu.memref_slice %arg10[%add3A_25, %dma_start3A_27] : memref<10240x128xf32, #tpu.memory_space<vmem_shared>> -> memref<128x128xf32, #tpu.memory_space<vmem_shared>>
        tpu.enqueue_dma source(%arg9 : memref<128x128xf32, #tpu.memory_space<vmem>>) target(%dma_start3A_28 : memref<128x128xf32, #tpu.memory_space<vmem_shared>>) target_semaphore(%run_scoped3A : memref<!tpu.dma_semaphore, #tpu.memory_space<semaphore_mem>>)
        %dma_wait3A = arith.constant 0 : i32
        %dma_wait3A_29 = tpu.memref_slice %arg10[%add3A_25, %dma_wait3A] : memref<10240x128xf32, #tpu.memory_space<vmem_shared>> -> memref<128x128xf32, #tpu.memory_space<vmem_shared>>
        %dma_wait3A_30 = arith.constant 0 : i32
        %dma_wait3A_31 = tpu.memref_slice %arg10[%add3A_25, %dma_wait3A_30] : memref<10240x128xf32, #tpu.memory_space<vmem_shared>> -> memref<128x128xf32, #tpu.memory_space<vmem_shared>>
        tpu.wait_dma2 semaphore(%run_scoped3A : memref<!tpu.dma_semaphore, #tpu.memory_space<semaphore_mem>>) src(%arg9 : memref<128x128xf32, #tpu.memory_space<vmem>>) dst(%dma_wait3A_31 : memref<128x128xf32, #tpu.memory_space<vmem_shared>>)
        tpu.yield
      }) : () -> ()
    }
    %scan3A_6 = arith.constant 5 : i32
    "tpu.region"() ({
      %run_scoped3A = tpu.sem_alloc : memref<!tpu.dma_semaphore, #tpu.memory_space<semaphore_mem>>
      %dma_start3A = arith.constant 0 : i32
      %dma_start3A_18 = arith.constant 0 : i32
      %dma_start3A_19 = tpu.memref_slice %arg3[%add3A, %dma_start3A, %dma_start3A_18] : memref<32x79x128xi32, #tpu.memory_space<hbm>> -> memref<1x79x128xi32, #tpu.memory_space<hbm>>
      %dma_start3A_20 = tpu.memref_squeeze %dma_start3A_19 : memref<1x79x128xi32, #tpu.memory_space<hbm>> -> memref<79x128xi32, #tpu.memory_space<hbm>>
      %dma_start3A_21 = arith.constant 0 : i32
      %dma_start3A_22 = arith.constant 0 : i32
      %dma_start3A_23 = tpu.memref_slice %arg3[%add3A, %dma_start3A_21, %dma_start3A_22] : memref<32x79x128xi32, #tpu.memory_space<hbm>> -> memref<1x79x128xi32, #tpu.memory_space<hbm>>
      %dma_start3A_24 = tpu.memref_squeeze %dma_start3A_23 : memref<1x79x128xi32, #tpu.memory_space<hbm>> -> memref<79x128xi32, #tpu.memory_space<hbm>>
      tpu.enqueue_dma source(%dma_start3A_24 : memref<79x128xi32, #tpu.memory_space<hbm>>) target(%arg7 : memref<79x128xi32, #tpu.memory_space<vmem>>) target_semaphore(%run_scoped3A : memref<!tpu.dma_semaphore, #tpu.memory_space<semaphore_mem>>)
      %dma_wait3A = arith.constant 0 : i32
      %dma_wait3A_25 = arith.constant 0 : i32
      %dma_wait3A_26 = tpu.memref_slice %arg3[%add3A, %dma_wait3A, %dma_wait3A_25] : memref<32x79x128xi32, #tpu.memory_space<hbm>> -> memref<1x79x128xi32, #tpu.memory_space<hbm>>
      %dma_wait3A_27 = tpu.memref_squeeze %dma_wait3A_26 : memref<1x79x128xi32, #tpu.memory_space<hbm>> -> memref<79x128xi32, #tpu.memory_space<hbm>>
      %dma_wait3A_28 = arith.constant 0 : i32
      %dma_wait3A_29 = arith.constant 0 : i32
      %dma_wait3A_30 = tpu.memref_slice %arg3[%add3A, %dma_wait3A_28, %dma_wait3A_29] : memref<32x79x128xi32, #tpu.memory_space<hbm>> -> memref<1x79x128xi32, #tpu.memory_space<hbm>>
      %dma_wait3A_31 = tpu.memref_squeeze %dma_wait3A_30 : memref<1x79x128xi32, #tpu.memory_space<hbm>> -> memref<79x128xi32, #tpu.memory_space<hbm>>
      tpu.wait_dma2 semaphore(%run_scoped3A : memref<!tpu.dma_semaphore, #tpu.memory_space<semaphore_mem>>) src(%dma_wait3A_31 : memref<79x128xi32, #tpu.memory_space<hbm>>) dst(%arg7 : memref<79x128xi32, #tpu.memory_space<vmem>>)
      tpu.yield
    }) : () -> ()
    "tpu.region"() ({
      %run_scoped3A = tpu.sem_alloc : memref<!tpu.dma_semaphore, #tpu.memory_space<semaphore_mem>>
      %dma_start3A = arith.constant 0 : i32
      %dma_start3A_18 = arith.constant 0 : i32
      %dma_start3A_19 = tpu.memref_slice %arg4[%add3A, %dma_start3A, %dma_start3A_18] : memref<32x79x128xi32, #tpu.memory_space<hbm>> -> memref<1x79x128xi32, #tpu.memory_space<hbm>>
      %dma_start3A_20 = tpu.memref_squeeze %dma_start3A_19 : memref<1x79x128xi32, #tpu.memory_space<hbm>> -> memref<79x128xi32, #tpu.memory_space<hbm>>
      %dma_start3A_21 = arith.constant 0 : i32
      %dma_start3A_22 = arith.constant 0 : i32
      %dma_start3A_23 = tpu.memref_slice %arg4[%add3A, %dma_start3A_21, %dma_start3A_22] : memref<32x79x128xi32, #tpu.memory_space<hbm>> -> memref<1x79x128xi32, #tpu.memory_space<hbm>>
      %dma_start3A_24 = tpu.memref_squeeze %dma_start3A_23 : memref<1x79x128xi32, #tpu.memory_space<hbm>> -> memref<79x128xi32, #tpu.memory_space<hbm>>
      tpu.enqueue_dma source(%dma_start3A_24 : memref<79x128xi32, #tpu.memory_space<hbm>>) target(%arg8 : memref<79x128xi32, #tpu.memory_space<vmem>>) target_semaphore(%run_scoped3A : memref<!tpu.dma_semaphore, #tpu.memory_space<semaphore_mem>>)
      %dma_wait3A = arith.constant 0 : i32
      %dma_wait3A_25 = arith.constant 0 : i32
      %dma_wait3A_26 = tpu.memref_slice %arg4[%add3A, %dma_wait3A, %dma_wait3A_25] : memref<32x79x128xi32, #tpu.memory_space<hbm>> -> memref<1x79x128xi32, #tpu.memory_space<hbm>>
      %dma_wait3A_27 = tpu.memref_squeeze %dma_wait3A_26 : memref<1x79x128xi32, #tpu.memory_space<hbm>> -> memref<79x128xi32, #tpu.memory_space<hbm>>
      %dma_wait3A_28 = arith.constant 0 : i32
      %dma_wait3A_29 = arith.constant 0 : i32
      %dma_wait3A_30 = tpu.memref_slice %arg4[%add3A, %dma_wait3A_28, %dma_wait3A_29] : memref<32x79x128xi32, #tpu.memory_space<hbm>> -> memref<1x79x128xi32, #tpu.memory_space<hbm>>
      %dma_wait3A_31 = tpu.memref_squeeze %dma_wait3A_30 : memref<1x79x128xi32, #tpu.memory_space<hbm>> -> memref<79x128xi32, #tpu.memory_space<hbm>>
      tpu.wait_dma2 semaphore(%run_scoped3A : memref<!tpu.dma_semaphore, #tpu.memory_space<semaphore_mem>>) src(%dma_wait3A_31 : memref<79x128xi32, #tpu.memory_space<hbm>>) dst(%arg8 : memref<79x128xi32, #tpu.memory_space<vmem>>)
      tpu.yield
    }) : () -> ()
    %barrier3A = arith.constant 0 : index
    tpu.barrier barrier_id(%barrier3A)
    %scan3A_7 = arith.constant 0 : i32
    %scan3A_8 = arith.constant 79 : i32
    %scan3A_9 = arith.addi %scan3A_7, %scan3A_8 : i32
    %scan3A_10 = arith.constant 1 : i32
    scf.for %scan3A_18 = %scan3A_7 to %scan3A_9 step %scan3A_10  : i32 {
      %mul3A_19 = arith.constant 1 : i32
      %mul3A_20 = arith.muli %scan3A_18, %mul3A_19 : i32
      %add3A_21 = arith.constant 0 : i32
      %add3A_22 = arith.addi %add3A_21, %mul3A_20 : i32
      %dma_start3A = arith.constant 0 : i32
      %dma_start3A_23 = tpu.memref_slice %arg7[%add3A_22, %dma_start3A] : memref<79x128xi32, #tpu.memory_space<vmem>> -> memref<1x128xi32, #tpu.memory_space<vmem>>
      %dma_start3A_24 = tpu.memref_squeeze %dma_start3A_23 : memref<1x128xi32, #tpu.memory_space<vmem>> -> memref<128xi32, #tpu.memory_space<vmem>>
      %dma_start3A_25 = arith.constant 0 : i32
      %dma_start3A_26 = arith.constant 0 : i32
      %dma_start3A_27 = tpu.memref_slice %arg2[%dma_start3A_25, %dma_start3A_26] : memref<10240x128xf32, #tpu.memory_space<hbm>> -> memref<10240x128xf32, #tpu.memory_space<hbm>>
      tpu.enqueue_indirect_dma source(%dma_start3A_27 : memref<10240x128xf32, #tpu.memory_space<hbm>>) target(%arg9 : memref<128x128xf32, #tpu.memory_space<vmem>>) offsets(%dma_start3A_24 : memref<128xi32, #tpu.memory_space<vmem>>) semaphore(%arg11 : memref<!tpu.dma_semaphore, #tpu.memory_space<semaphore_mem>>)
      %dma_wait3A = arith.constant 0 : i32
      %dma_wait3A_28 = tpu.memref_slice %arg7[%add3A_22, %dma_wait3A] : memref<79x128xi32, #tpu.memory_space<vmem>> -> memref<1x128xi32, #tpu.memory_space<vmem>>
      %dma_wait3A_29 = tpu.memref_squeeze %dma_wait3A_28 : memref<1x128xi32, #tpu.memory_space<vmem>> -> memref<128xi32, #tpu.memory_space<vmem>>
      %dma_wait3A_30 = arith.constant 0 : i32
      %dma_wait3A_31 = arith.constant 0 : i32
      %dma_wait3A_32 = tpu.memref_slice %arg2[%dma_wait3A_30, %dma_wait3A_31] : memref<10240x128xf32, #tpu.memory_space<hbm>> -> memref<10240x128xf32, #tpu.memory_space<hbm>>
      tpu.wait_indirect_dma semaphore(%arg11 : memref<!tpu.dma_semaphore, #tpu.memory_space<semaphore_mem>>) src(%dma_wait3A_32 : memref<10240x128xf32, #tpu.memory_space<hbm>>) dst(%arg9 : memref<128x128xf32, #tpu.memory_space<vmem>>)
      "tpu.region"() ({
        %run_scoped3A = tpu.sem_alloc : memref<!tpu.dma_semaphore, #tpu.memory_space<semaphore_mem>>
        %dma_start3A_33 = arith.constant 0 : i32
        %dma_start3A_34 = tpu.memref_slice %arg8[%add3A_22, %dma_start3A_33] : memref<79x128xi32, #tpu.memory_space<vmem>> -> memref<1x128xi32, #tpu.memory_space<vmem>>
        %dma_start3A_35 = tpu.memref_squeeze %dma_start3A_34 : memref<1x128xi32, #tpu.memory_space<vmem>> -> memref<128xi32, #tpu.memory_space<vmem>>
        %dma_start3A_36 = arith.constant 0 : i32
        %dma_start3A_37 = arith.constant 0 : i32
        %dma_start3A_38 = tpu.memref_slice %arg10[%dma_start3A_36, %dma_start3A_37] : memref<10240x128xf32, #tpu.memory_space<vmem_shared>> -> memref<10240x128xf32, #tpu.memory_space<vmem_shared>>
        tpu.enqueue_indirect_dma source(%arg9 : memref<128x128xf32, #tpu.memory_space<vmem>>) target(%dma_start3A_38 : memref<10240x128xf32, #tpu.memory_space<vmem_shared>>) offsets(%dma_start3A_35 : memref<128xi32, #tpu.memory_space<vmem>>) semaphore(%run_scoped3A : memref<!tpu.dma_semaphore, #tpu.memory_space<semaphore_mem>>) {add = true}
        %dma_wait3A_39 = arith.constant 0 : i32
        %dma_wait3A_40 = tpu.memref_slice %arg8[%add3A_22, %dma_wait3A_39] : memref<79x128xi32, #tpu.memory_space<vmem>> -> memref<1x128xi32, #tpu.memory_space<vmem>>
        %dma_wait3A_41 = tpu.memref_squeeze %dma_wait3A_40 : memref<1x128xi32, #tpu.memory_space<vmem>> -> memref<128xi32, #tpu.memory_space<vmem>>
        %dma_wait3A_42 = arith.constant 0 : i32
        %dma_wait3A_43 = arith.constant 0 : i32
        %dma_wait3A_44 = tpu.memref_slice %arg10[%dma_wait3A_42, %dma_wait3A_43] : memref<10240x128xf32, #tpu.memory_space<vmem_shared>> -> memref<10240x128xf32, #tpu.memory_space<vmem_shared>>
        tpu.wait_indirect_dma semaphore(%run_scoped3A : memref<!tpu.dma_semaphore, #tpu.memory_space<semaphore_mem>>) src(%arg9 : memref<128x128xf32, #tpu.memory_space<vmem>>) dst(%dma_wait3A_44 : memref<10240x128xf32, #tpu.memory_space<vmem_shared>>)
        tpu.yield
      }) : () -> ()
    }
    %scan3A_11 = arith.constant 79 : i32
    %barrier3A_12 = arith.constant 0 : index
    tpu.barrier barrier_id(%barrier3A_12)
    %scan3A_13 = arith.constant 0 : i32
    %scan3A_14 = arith.constant 5 : i32
    %scan3A_15 = arith.addi %scan3A_13, %scan3A_14 : i32
    %scan3A_16 = arith.constant 1 : i32
    scf.for %scan3A_18 = %scan3A_13 to %scan3A_15 step %scan3A_16  : i32 {
      %mul3A_19 = arith.constant 1 : i32
      %mul3A_20 = arith.muli %scan3A_18, %mul3A_19 : i32
      %add3A_21 = arith.constant 0 : i32
      %add3A_22 = arith.addi %add3A_21, %mul3A_20 : i32
      %mul3A_23 = arith.constant 128 : i32
      %mul3A_24 = arith.muli %add3A_22, %mul3A_23 : i32
      %add3A_25 = arith.addi %mul3A_2, %mul3A_24 : i32
      "tpu.region"() ({
        %run_scoped3A = tpu.sem_alloc : memref<!tpu.dma_semaphore, #tpu.memory_space<semaphore_mem>>
        %dma_start3A = arith.constant 0 : i32
        %dma_start3A_29 = tpu.memref_slice %arg10[%add3A_25, %dma_start3A] : memref<10240x128xf32, #tpu.memory_space<vmem_shared>> -> memref<128x128xf32, #tpu.memory_space<vmem_shared>>
        %dma_start3A_30 = arith.constant 0 : i32
        %dma_start3A_31 = tpu.memref_slice %arg10[%add3A_25, %dma_start3A_30] : memref<10240x128xf32, #tpu.memory_space<vmem_shared>> -> memref<128x128xf32, #tpu.memory_space<vmem_shared>>
        tpu.enqueue_dma source(%dma_start3A_31 : memref<128x128xf32, #tpu.memory_space<vmem_shared>>) target(%arg9 : memref<128x128xf32, #tpu.memory_space<vmem>>) target_semaphore(%run_scoped3A : memref<!tpu.dma_semaphore, #tpu.memory_space<semaphore_mem>>)
        %dma_wait3A = arith.constant 0 : i32
        %dma_wait3A_32 = tpu.memref_slice %arg10[%add3A_25, %dma_wait3A] : memref<10240x128xf32, #tpu.memory_space<vmem_shared>> -> memref<128x128xf32, #tpu.memory_space<vmem_shared>>
        %dma_wait3A_33 = arith.constant 0 : i32
        %dma_wait3A_34 = tpu.memref_slice %arg10[%add3A_25, %dma_wait3A_33] : memref<10240x128xf32, #tpu.memory_space<vmem_shared>> -> memref<128x128xf32, #tpu.memory_space<vmem_shared>>
        tpu.wait_dma2 semaphore(%run_scoped3A : memref<!tpu.dma_semaphore, #tpu.memory_space<semaphore_mem>>) src(%dma_wait3A_34 : memref<128x128xf32, #tpu.memory_space<vmem_shared>>) dst(%arg9 : memref<128x128xf32, #tpu.memory_space<vmem>>)
        tpu.yield
      }) : () -> ()
      %mul3A_26 = arith.constant 128 : i32
      %mul3A_27 = arith.muli %add3A_22, %mul3A_26 : i32
      %add3A_28 = arith.addi %mul3A_2, %mul3A_27 : i32
      "tpu.region"() ({
        %run_scoped3A = tpu.sem_alloc : memref<!tpu.dma_semaphore, #tpu.memory_space<semaphore_mem>>
        %dma_start3A = arith.constant 0 : i32
        %dma_start3A_29 = tpu.memref_slice %arg6[%arg0, %add3A_28, %dma_start3A] : memref<2x10240x128xf32, #tpu.memory_space<hbm>> -> memref<1x128x128xf32, #tpu.memory_space<hbm>>
        %dma_start3A_30 = tpu.memref_squeeze %dma_start3A_29 : memref<1x128x128xf32, #tpu.memory_space<hbm>> -> memref<128x128xf32, #tpu.memory_space<hbm>>
        %dma_start3A_31 = arith.constant 0 : i32
        %dma_start3A_32 = tpu.memref_slice %arg6[%arg0, %add3A_28, %dma_start3A_31] : memref<2x10240x128xf32, #tpu.memory_space<hbm>> -> memref<1x128x128xf32, #tpu.memory_space<hbm>>
        %dma_start3A_33 = tpu.memref_squeeze %dma_start3A_32 : memref<1x128x128xf32, #tpu.memory_space<hbm>> -> memref<128x128xf32, #tpu.memory_space<hbm>>
        tpu.enqueue_dma source(%arg9 : memref<128x128xf32, #tpu.memory_space<vmem>>) target(%dma_start3A_33 : memref<128x128xf32, #tpu.memory_space<hbm>>) target_semaphore(%run_scoped3A : memref<!tpu.dma_semaphore, #tpu.memory_space<semaphore_mem>>)
        %dma_wait3A = arith.constant 0 : i32
        %dma_wait3A_34 = tpu.memref_slice %arg6[%arg0, %add3A_28, %dma_wait3A] : memref<2x10240x128xf32, #tpu.memory_space<hbm>> -> memref<1x128x128xf32, #tpu.memory_space<hbm>>
        %dma_wait3A_35 = tpu.memref_squeeze %dma_wait3A_34 : memref<1x128x128xf32, #tpu.memory_space<hbm>> -> memref<128x128xf32, #tpu.memory_space<hbm>>
        %dma_wait3A_36 = arith.constant 0 : i32
        %dma_wait3A_37 = tpu.memref_slice %arg6[%arg0, %add3A_28, %dma_wait3A_36] : memref<2x10240x128xf32, #tpu.memory_space<hbm>> -> memref<1x128x128xf32, #tpu.memory_space<hbm>>
        %dma_wait3A_38 = tpu.memref_squeeze %dma_wait3A_37 : memref<1x128x128xf32, #tpu.memory_space<hbm>> -> memref<128x128xf32, #tpu.memory_space<hbm>>
        tpu.wait_dma2 semaphore(%run_scoped3A : memref<!tpu.dma_semaphore, #tpu.memory_space<semaphore_mem>>) src(%arg9 : memref<128x128xf32, #tpu.memory_space<vmem>>) dst(%dma_wait3A_38 : memref<128x128xf32, #tpu.memory_space<hbm>>)
        tpu.yield
      }) : () -> ()
    }
    %scan3A_17 = arith.constant 5 : i32
    return
  }
}

module attributes {stable_mosaic.version = 14 : i64} {
  func.func @body(%arg0: i32, %arg1: memref<1024x128xf32, #tpu.memory_space<vmem>>, %arg2: memref<128x128xf32, #tpu.memory_space<vmem>>, %arg3: memref<2x1024x128xf32, #tpu.memory_space<vmem>>, %arg4: memref<1024x128xf32, #tpu.memory_space<vmem>>) attributes {dimension_semantics = [#tpu.dimension_semantics<arbitrary>], iteration_bounds = array<i64: 10>, scalar_prefetch = 0 : i64, scratch_operands = 0 : i64, tpu.core_type = #tpu.core_type<tc>, window_params = [{transform_indices = @transform_0, window_bounds = array<i64: 1024, 128>}, {pipeline_mode = #tpu.pipeline_mode<synchronous>, transform_indices = @transform_1, window_bounds = array<i64: 128, 128>}, {transform_indices = @transform_2, window_bounds = array<i64: 2, 1024, 128>}, {transform_indices = @transform_3, window_bounds = array<i64: 1024, 128>}]} {
    %get3A = arith.constant 0 : index
    %get3A_0 = arith.constant 0 : index
    %get3A_1 = arith.constant 0 : index
    %get3A_2 = vector.load %arg3[%get3A, %get3A_0, %get3A_1] : memref<2x1024x128xf32, #tpu.memory_space<vmem>>, vector<1x1024x128xf32>
    %get3A_3 = vector.shape_cast %get3A_2 : vector<1x1024x128xf32> to vector<1024x128xf32>
    %get3A_4 = arith.constant 1 : index
    %get3A_5 = arith.constant 0 : index
    %get3A_6 = arith.constant 0 : index
    %get3A_7 = vector.load %arg3[%get3A_4, %get3A_5, %get3A_6] : memref<2x1024x128xf32, #tpu.memory_space<vmem>>, vector<1x1024x128xf32>
    %get3A_8 = vector.shape_cast %get3A_7 : vector<1x1024x128xf32> to vector<1024x128xf32>
    %add3A = arith.addf %get3A_3, %get3A_8 : vector<1024x128xf32>
    %slice3A = vector.extract_strided_slice %add3A {offsets = [0, 0], sizes = [1024, 1], strides = [1, 1]} : vector<1024x128xf32> to vector<1024x1xf32>
    %add3A_9 = arith.constant 1.000000e+00 : f32
    %add3A_10 = vector.broadcast %add3A_9 : f32 to vector<1024x1xf32>
    %add3A_11 = arith.addf %slice3A, %add3A_10 : vector<1024x1xf32>
    %rsqrt3A = math.rsqrt %add3A_11 : vector<1024x1xf32>
    %get3A_12 = arith.constant 0 : index
    %get3A_13 = arith.constant 0 : index
    %get3A_14 = vector.load %arg1[%get3A_12, %get3A_13] : memref<1024x128xf32, #tpu.memory_space<vmem>>, vector<1024x128xf32>
    %get3A_15 = arith.constant 0 : index
    %get3A_16 = arith.constant 0 : index
    %get3A_17 = vector.load %arg2[%get3A_15, %get3A_16] : memref<128x128xf32, #tpu.memory_space<vmem>>, vector<128x128xf32>
    %dot_general3A = arith.constant dense<0.000000e+00> : vector<1024x128xf32>
    %dot_general3A_18 = tpu.matmul %get3A_14, %get3A_17, %dot_general3A {dimension_numbers = #tpu.dot_dimension_numbers<[1], [0], [0], [1], [0, 0, 1, 1], [], []>, transpose_lhs_hint = false} : vector<1024x128xf32>, vector<128x128xf32>, vector<1024x128xf32> -> vector<1024x128xf32>
    %mul3A = vector.broadcast %rsqrt3A : vector<1024x1xf32> to vector<1024x128xf32>
    %mul3A_19 = arith.mulf %dot_general3A_18, %mul3A : vector<1024x128xf32>
    %swap3A = arith.constant 0 : index
    %swap3A_20 = arith.constant 0 : index
    %swap3A_21 = vector.load %arg4[%swap3A, %swap3A_20] : memref<1024x128xf32, #tpu.memory_space<vmem>>, vector<1024x128xf32>
    tpu.vector_store %arg4[%swap3A, %swap3A_20], %mul3A_19 {strides = array<i32>} : memref<1024x128xf32, #tpu.memory_space<vmem>>, vector<1024x128xf32>,
    return
  }
  func.func @transform_0(%arg0: i32) -> (i32, i32) {
    %c0_i32 = arith.constant 0 : i32
    %c0_i32_0 = arith.constant 0 : i32
    return %arg0, %c0_i32 : i32, i32
  }
  func.func @transform_1(%arg0: i32) -> (i32, i32) {
    %c0_i32 = arith.constant 0 : i32
    %c0_i32_0 = arith.constant 0 : i32
    %c0_i32_1 = arith.constant 0 : i32
    return %c0_i32, %c0_i32_0 : i32, i32
  }
  func.func @transform_2(%arg0: i32) -> (i32, i32, i32) {
    %c0_i32 = arith.constant 0 : i32
    %c0_i32_0 = arith.constant 0 : i32
    %c0_i32_1 = arith.constant 0 : i32
    return %c0_i32, %arg0, %c0_i32_0 : i32, i32, i32
  }
  func.func @transform_3(%arg0: i32) -> (i32, i32) {
    %c0_i32 = arith.constant 0 : i32
    %c0_i32_0 = arith.constant 0 : i32
    return %arg0, %c0_i32 : i32, i32
  }
}

module attributes {stable_mosaic.version = 14 : i64} {
  func.func @body(%arg0: i32, %arg1: memref<2x1024x128xf32, #tpu.memory_space<vmem>>, %arg2: memref<1024x128xf32, #tpu.memory_space<vmem>>, %arg3: memref<2x1024x128xf32, #tpu.memory_space<vmem>>, %arg4: memref<1x128xf32, #tpu.memory_space<vmem>>, %arg5: memref<128x128xf32, #tpu.memory_space<vmem>>, %arg6: memref<1024x128xf32, #tpu.memory_space<vmem>>) attributes {dimension_semantics = [#tpu.dimension_semantics<arbitrary>], iteration_bounds = array<i64: 10>, scalar_prefetch = 0 : i64, scratch_operands = 0 : i64, tpu.core_type = #tpu.core_type<tc>, window_params = [{transform_indices = @transform_0, window_bounds = array<i64: 2, 1024, 128>}, {transform_indices = @transform_1, window_bounds = array<i64: 1024, 128>}, {transform_indices = @transform_2, window_bounds = array<i64: 2, 1024, 128>}, {pipeline_mode = #tpu.pipeline_mode<synchronous>, transform_indices = @transform_3, window_bounds = array<i64: 1, 128>}, {pipeline_mode = #tpu.pipeline_mode<synchronous>, transform_indices = @transform_4, window_bounds = array<i64: 128, 128>}, {transform_indices = @transform_5, window_bounds = array<i64: 1024, 128>}]} {
    %get3A = arith.constant 0 : index
    %get3A_0 = arith.constant 0 : index
    %get3A_1 = arith.constant 0 : index
    %get3A_2 = vector.load %arg3[%get3A, %get3A_0, %get3A_1] : memref<2x1024x128xf32, #tpu.memory_space<vmem>>, vector<1x1024x128xf32>
    %get3A_3 = vector.shape_cast %get3A_2 : vector<1x1024x128xf32> to vector<1024x128xf32>
    %get3A_4 = arith.constant 1 : index
    %get3A_5 = arith.constant 0 : index
    %get3A_6 = arith.constant 0 : index
    %get3A_7 = vector.load %arg3[%get3A_4, %get3A_5, %get3A_6] : memref<2x1024x128xf32, #tpu.memory_space<vmem>>, vector<1x1024x128xf32>
    %get3A_8 = vector.shape_cast %get3A_7 : vector<1x1024x128xf32> to vector<1024x128xf32>
    %add3A = arith.addf %get3A_3, %get3A_8 : vector<1024x128xf32>
    %slice3A = vector.extract_strided_slice %add3A {offsets = [0, 0], sizes = [1024, 1], strides = [1, 1]} : vector<1024x128xf32> to vector<1024x1xf32>
    %add3A_9 = arith.constant 1.000000e+00 : f32
    %add3A_10 = vector.broadcast %add3A_9 : f32 to vector<1024x1xf32>
    %add3A_11 = arith.addf %slice3A, %add3A_10 : vector<1024x1xf32>
    %rsqrt3A = math.rsqrt %add3A_11 : vector<1024x1xf32>
    %get3A_12 = arith.constant 0 : index
    %get3A_13 = arith.constant 0 : index
    %get3A_14 = arith.constant 0 : index
    %get3A_15 = vector.load %arg1[%get3A_12, %get3A_13, %get3A_14] : memref<2x1024x128xf32, #tpu.memory_space<vmem>>, vector<1x1024x128xf32>
    %get3A_16 = vector.shape_cast %get3A_15 : vector<1x1024x128xf32> to vector<1024x128xf32>
    %get3A_17 = arith.constant 1 : index
    %get3A_18 = arith.constant 0 : index
    %get3A_19 = arith.constant 0 : index
    %get3A_20 = vector.load %arg1[%get3A_17, %get3A_18, %get3A_19] : memref<2x1024x128xf32, #tpu.memory_space<vmem>>, vector<1x1024x128xf32>
    %get3A_21 = vector.shape_cast %get3A_20 : vector<1x1024x128xf32> to vector<1024x128xf32>
    %add3A_22 = arith.addf %get3A_16, %get3A_21 : vector<1024x128xf32>
    %get3A_23 = arith.constant 0 : index
    %get3A_24 = arith.constant 0 : index
    %get3A_25 = vector.load %arg2[%get3A_23, %get3A_24] : memref<1024x128xf32, #tpu.memory_space<vmem>>, vector<1024x128xf32>
    %add3A_26 = arith.addf %add3A_22, %get3A_25 : vector<1024x128xf32>
    %mul3A = vector.broadcast %rsqrt3A : vector<1024x1xf32> to vector<1024x128xf32>
    %mul3A_27 = arith.mulf %mul3A, %add3A_26 : vector<1024x128xf32>
    %get3A_28 = arith.constant 0 : index
    %get3A_29 = arith.constant 0 : index
    %get3A_30 = vector.load %arg4[%get3A_28, %get3A_29] : memref<1x128xf32, #tpu.memory_space<vmem>>, vector<1x128xf32>
    %add3A_31 = vector.broadcast %get3A_30 : vector<1x128xf32> to vector<1024x128xf32>
    %add3A_32 = arith.addf %mul3A_27, %add3A_31 : vector<1024x128xf32>
    %max3A = arith.constant 0.000000e+00 : f32
    %max3A_33 = vector.broadcast %max3A : f32 to vector<1024x128xf32>
    %max3A_34 = arith.maximumf %add3A_32, %max3A_33 : vector<1024x128xf32>
    %get3A_35 = arith.constant 0 : index
    %get3A_36 = arith.constant 0 : index
    %get3A_37 = vector.load %arg5[%get3A_35, %get3A_36] : memref<128x128xf32, #tpu.memory_space<vmem>>, vector<128x128xf32>
    %dot_general3A = arith.constant dense<0.000000e+00> : vector<1024x128xf32>
    %dot_general3A_38 = tpu.matmul %max3A_34, %get3A_37, %dot_general3A {dimension_numbers = #tpu.dot_dimension_numbers<[1], [0], [0], [1], [0, 0, 1, 1], [], []>, transpose_lhs_hint = false} : vector<1024x128xf32>, vector<128x128xf32>, vector<1024x128xf32> -> vector<1024x128xf32>
    %mul3A_39 = vector.broadcast %rsqrt3A : vector<1024x1xf32> to vector<1024x128xf32>
    %mul3A_40 = arith.mulf %dot_general3A_38, %mul3A_39 : vector<1024x128xf32>
    %swap3A = arith.constant 0 : index
    %swap3A_41 = arith.constant 0 : index
    %swap3A_42 = vector.load %arg6[%swap3A, %swap3A_41] : memref<1024x128xf32, #tpu.memory_space<vmem>>, vector<1024x128xf32>
    tpu.vector_store %arg6[%swap3A, %swap3A_41], %mul3A_40 {strides = array<i32>} : memref<1024x128xf32, #tpu.memory_space<vmem>>, vector<1024x128xf32>,
    return
  }
  func.func @transform_0(%arg0: i32) -> (i32, i32, i32) {
    %c0_i32 = arith.constant 0 : i32
    %c0_i32_0 = arith.constant 0 : i32
    %c0_i32_1 = arith.constant 0 : i32
    return %c0_i32, %arg0, %c0_i32_0 : i32, i32, i32
  }
  func.func @transform_1(%arg0: i32) -> (i32, i32) {
    %c0_i32 = arith.constant 0 : i32
    %c0_i32_0 = arith.constant 0 : i32
    return %arg0, %c0_i32 : i32, i32
  }
  func.func @transform_2(%arg0: i32) -> (i32, i32, i32) {
    %c0_i32 = arith.constant 0 : i32
    %c0_i32_0 = arith.constant 0 : i32
    %c0_i32_1 = arith.constant 0 : i32
    return %c0_i32, %arg0, %c0_i32_0 : i32, i32, i32
  }
  func.func @transform_3(%arg0: i32) -> (i32, i32) {
    %c0_i32 = arith.constant 0 : i32
    %c0_i32_0 = arith.constant 0 : i32
    %c0_i32_1 = arith.constant 0 : i32
    return %c0_i32, %c0_i32_0 : i32, i32
  }
  func.func @transform_4(%arg0: i32) -> (i32, i32) {
    %c0_i32 = arith.constant 0 : i32
    %c0_i32_0 = arith.constant 0 : i32
    %c0_i32_1 = arith.constant 0 : i32
    return %c0_i32, %c0_i32_0 : i32, i32
  }
  func.func @transform_5(%arg0: i32) -> (i32, i32) {
    %c0_i32 = arith.constant 0 : i32
    %c0_i32_0 = arith.constant 0 : i32
    return %arg0, %c0_i32 : i32, i32
  }
}

module attributes {stable_mosaic.version = 14 : i64} {
  func.func @body(%arg0: i32, %arg1: memref<2x1024x128xf32, #tpu.memory_space<vmem>>, %arg2: memref<1024x128xf32, #tpu.memory_space<vmem>>, %arg3: memref<2x1024x128xf32, #tpu.memory_space<vmem>>, %arg4: memref<1x128xf32, #tpu.memory_space<vmem>>, %arg5: memref<128x128xf32, #tpu.memory_space<vmem>>, %arg6: memref<1x128xf32, #tpu.memory_space<vmem>>, %arg7: memref<128x128xf32, #tpu.memory_space<vmem>>, %arg8: memref<1x128xf32, #tpu.memory_space<vmem>>, %arg9: memref<1024x128xf32, #tpu.memory_space<vmem>>, %arg10: memref<1024x128xf32, #tpu.memory_space<vmem>>) attributes {dimension_semantics = [#tpu.dimension_semantics<arbitrary>], iteration_bounds = array<i64: 10>, scalar_prefetch = 0 : i64, scratch_operands = 0 : i64, tpu.core_type = #tpu.core_type<tc>, window_params = [{transform_indices = @transform_0, window_bounds = array<i64: 2, 1024, 128>}, {transform_indices = @transform_1, window_bounds = array<i64: 1024, 128>}, {transform_indices = @transform_2, window_bounds = array<i64: 2, 1024, 128>}, {pipeline_mode = #tpu.pipeline_mode<synchronous>, transform_indices = @transform_3, window_bounds = array<i64: 1, 128>}, {pipeline_mode = #tpu.pipeline_mode<synchronous>, transform_indices = @transform_4, window_bounds = array<i64: 128, 128>}, {pipeline_mode = #tpu.pipeline_mode<synchronous>, transform_indices = @transform_5, window_bounds = array<i64: 1, 128>}, {pipeline_mode = #tpu.pipeline_mode<synchronous>, transform_indices = @transform_6, window_bounds = array<i64: 128, 128>}, {pipeline_mode = #tpu.pipeline_mode<synchronous>, transform_indices = @transform_7, window_bounds = array<i64: 1, 128>}, {transform_indices = @transform_8, window_bounds = array<i64: 1024, 128>}, {transform_indices = @transform_9, window_bounds = array<i64: 1024, 128>}]} {
    %get3A = arith.constant 0 : index
    %get3A_0 = arith.constant 0 : index
    %get3A_1 = arith.constant 0 : index
    %get3A_2 = vector.load %arg3[%get3A, %get3A_0, %get3A_1] : memref<2x1024x128xf32, #tpu.memory_space<vmem>>, vector<1x1024x128xf32>
    %get3A_3 = vector.shape_cast %get3A_2 : vector<1x1024x128xf32> to vector<1024x128xf32>
    %get3A_4 = arith.constant 1 : index
    %get3A_5 = arith.constant 0 : index
    %get3A_6 = arith.constant 0 : index
    %get3A_7 = vector.load %arg3[%get3A_4, %get3A_5, %get3A_6] : memref<2x1024x128xf32, #tpu.memory_space<vmem>>, vector<1x1024x128xf32>
    %get3A_8 = vector.shape_cast %get3A_7 : vector<1x1024x128xf32> to vector<1024x128xf32>
    %add3A = arith.addf %get3A_3, %get3A_8 : vector<1024x128xf32>
    %slice3A = vector.extract_strided_slice %add3A {offsets = [0, 0], sizes = [1024, 1], strides = [1, 1]} : vector<1024x128xf32> to vector<1024x1xf32>
    %add3A_9 = arith.constant 1.000000e+00 : f32
    %add3A_10 = vector.broadcast %add3A_9 : f32 to vector<1024x1xf32>
    %add3A_11 = arith.addf %slice3A, %add3A_10 : vector<1024x1xf32>
    %rsqrt3A = math.rsqrt %add3A_11 : vector<1024x1xf32>
    %get3A_12 = arith.constant 0 : index
    %get3A_13 = arith.constant 0 : index
    %get3A_14 = arith.constant 0 : index
    %get3A_15 = vector.load %arg1[%get3A_12, %get3A_13, %get3A_14] : memref<2x1024x128xf32, #tpu.memory_space<vmem>>, vector<1x1024x128xf32>
    %get3A_16 = vector.shape_cast %get3A_15 : vector<1x1024x128xf32> to vector<1024x128xf32>
    %get3A_17 = arith.constant 1 : index
    %get3A_18 = arith.constant 0 : index
    %get3A_19 = arith.constant 0 : index
    %get3A_20 = vector.load %arg1[%get3A_17, %get3A_18, %get3A_19] : memref<2x1024x128xf32, #tpu.memory_space<vmem>>, vector<1x1024x128xf32>
    %get3A_21 = vector.shape_cast %get3A_20 : vector<1x1024x128xf32> to vector<1024x128xf32>
    %add3A_22 = arith.addf %get3A_16, %get3A_21 : vector<1024x128xf32>
    %get3A_23 = arith.constant 0 : index
    %get3A_24 = arith.constant 0 : index
    %get3A_25 = vector.load %arg2[%get3A_23, %get3A_24] : memref<1024x128xf32, #tpu.memory_space<vmem>>, vector<1024x128xf32>
    %add3A_26 = arith.addf %add3A_22, %get3A_25 : vector<1024x128xf32>
    %mul3A = vector.broadcast %rsqrt3A : vector<1024x1xf32> to vector<1024x128xf32>
    %mul3A_27 = arith.mulf %mul3A, %add3A_26 : vector<1024x128xf32>
    %get3A_28 = arith.constant 0 : index
    %get3A_29 = arith.constant 0 : index
    %get3A_30 = vector.load %arg4[%get3A_28, %get3A_29] : memref<1x128xf32, #tpu.memory_space<vmem>>, vector<1x128xf32>
    %add3A_31 = vector.broadcast %get3A_30 : vector<1x128xf32> to vector<1024x128xf32>
    %add3A_32 = arith.addf %mul3A_27, %add3A_31 : vector<1024x128xf32>
    %swap3A = arith.constant 0 : index
    %swap3A_33 = arith.constant 0 : index
    %swap3A_34 = vector.load %arg9[%swap3A, %swap3A_33] : memref<1024x128xf32, #tpu.memory_space<vmem>>, vector<1024x128xf32>
    tpu.vector_store %arg9[%swap3A, %swap3A_33], %add3A_32 {strides = array<i32>} : memref<1024x128xf32, #tpu.memory_space<vmem>>, vector<1024x128xf32>,
    %get3A_35 = arith.constant 0 : index
    %get3A_36 = arith.constant 0 : index
    %get3A_37 = vector.load %arg5[%get3A_35, %get3A_36] : memref<128x128xf32, #tpu.memory_space<vmem>>, vector<128x128xf32>
    %dot_general3A = arith.constant dense<0.000000e+00> : vector<1024x128xf32>
    %dot_general3A_38 = tpu.matmul %add3A_32, %get3A_37, %dot_general3A {dimension_numbers = #tpu.dot_dimension_numbers<[1], [0], [0], [1], [0, 0, 1, 1], [], []>, transpose_lhs_hint = false} : vector<1024x128xf32>, vector<128x128xf32>, vector<1024x128xf32> -> vector<1024x128xf32>
    %get3A_39 = arith.constant 0 : index
    %get3A_40 = arith.constant 0 : index
    %get3A_41 = vector.load %arg6[%get3A_39, %get3A_40] : memref<1x128xf32, #tpu.memory_space<vmem>>, vector<1x128xf32>
    %add3A_42 = vector.broadcast %get3A_41 : vector<1x128xf32> to vector<1024x128xf32>
    %add3A_43 = arith.addf %dot_general3A_38, %add3A_42 : vector<1024x128xf32>
    %gt3A = arith.constant 0.000000e+00 : f32
    %gt3A_44 = vector.broadcast %gt3A : f32 to vector<1024x128xf32>
    %gt3A_45 = arith.cmpf ogt, %add3A_43, %gt3A_44 : vector<1024x128xf32>
    %exp3A = math.exp %add3A_43 : vector<1024x128xf32>
    %sub3A = arith.constant 1.000000e+00 : f32
    %sub3A_46 = vector.broadcast %sub3A : f32 to vector<1024x128xf32>
    %sub3A_47 = arith.subf %exp3A, %sub3A_46 : vector<1024x128xf32>
    %select_n3A = arith.select %gt3A_45, %add3A_43, %sub3A_47 : vector<1024x128xi1>, vector<1024x128xf32>
    %get3A_48 = arith.constant 0 : index
    %get3A_49 = arith.constant 0 : index
    %get3A_50 = vector.load %arg7[%get3A_48, %get3A_49] : memref<128x128xf32, #tpu.memory_space<vmem>>, vector<128x128xf32>
    %dot_general3A_51 = arith.constant dense<0.000000e+00> : vector<1024x128xf32>
    %dot_general3A_52 = tpu.matmul %select_n3A, %get3A_50, %dot_general3A_51 {dimension_numbers = #tpu.dot_dimension_numbers<[1], [0], [0], [1], [0, 0, 1, 1], [], []>, transpose_lhs_hint = false} : vector<1024x128xf32>, vector<128x128xf32>, vector<1024x128xf32> -> vector<1024x128xf32>
    %get3A_53 = arith.constant 0 : index
    %get3A_54 = arith.constant 0 : index
    %get3A_55 = vector.load %arg8[%get3A_53, %get3A_54] : memref<1x128xf32, #tpu.memory_space<vmem>>, vector<1x128xf32>
    %add3A_56 = vector.broadcast %get3A_55 : vector<1x128xf32> to vector<1024x128xf32>
    %add3A_57 = arith.addf %dot_general3A_52, %add3A_56 : vector<1024x128xf32>
    %swap3A_58 = arith.constant 0 : index
    %swap3A_59 = arith.constant 0 : index
    %swap3A_60 = vector.load %arg10[%swap3A_58, %swap3A_59] : memref<1024x128xf32, #tpu.memory_space<vmem>>, vector<1024x128xf32>
    tpu.vector_store %arg10[%swap3A_58, %swap3A_59], %add3A_57 {strides = array<i32>} : memref<1024x128xf32, #tpu.memory_space<vmem>>, vector<1024x128xf32>,
    return
  }
  func.func @transform_0(%arg0: i32) -> (i32, i32, i32) {
    %c0_i32 = arith.constant 0 : i32
    %c0_i32_0 = arith.constant 0 : i32
    %c0_i32_1 = arith.constant 0 : i32
    return %c0_i32, %arg0, %c0_i32_0 : i32, i32, i32
  }
  func.func @transform_1(%arg0: i32) -> (i32, i32) {
    %c0_i32 = arith.constant 0 : i32
    %c0_i32_0 = arith.constant 0 : i32
    return %arg0, %c0_i32 : i32, i32
  }
  func.func @transform_2(%arg0: i32) -> (i32, i32, i32) {
    %c0_i32 = arith.constant 0 : i32
    %c0_i32_0 = arith.constant 0 : i32
    %c0_i32_1 = arith.constant 0 : i32
    return %c0_i32, %arg0, %c0_i32_0 : i32, i32, i32
  }
  func.func @transform_3(%arg0: i32) -> (i32, i32) {
    %c0_i32 = arith.constant 0 : i32
    %c0_i32_0 = arith.constant 0 : i32
    %c0_i32_1 = arith.constant 0 : i32
    return %c0_i32, %c0_i32_0 : i32, i32
  }
  func.func @transform_4(%arg0: i32) -> (i32, i32) {
    %c0_i32 = arith.constant 0 : i32
    %c0_i32_0 = arith.constant 0 : i32
    %c0_i32_1 = arith.constant 0 : i32
    return %c0_i32, %c0_i32_0 : i32, i32
  }
  func.func @transform_5(%arg0: i32) -> (i32, i32) {
    %c0_i32 = arith.constant 0 : i32
    %c0_i32_0 = arith.constant 0 : i32
    %c0_i32_1 = arith.constant 0 : i32
    return %c0_i32, %c0_i32_0 : i32, i32
  }
  func.func @transform_6(%arg0: i32) -> (i32, i32) {
    %c0_i32 = arith.constant 0 : i32
    %c0_i32_0 = arith.constant 0 : i32
    %c0_i32_1 = arith.constant 0 : i32
    return %c0_i32, %c0_i32_0 : i32, i32
  }
  func.func @transform_7(%arg0: i32) -> (i32, i32) {
    %c0_i32 = arith.constant 0 : i32
    %c0_i32_0 = arith.constant 0 : i32
    %c0_i32_1 = arith.constant 0 : i32
    return %c0_i32, %c0_i32_0 : i32, i32
  }
  func.func @transform_8(%arg0: i32) -> (i32, i32) {
    %c0_i32 = arith.constant 0 : i32
    %c0_i32_0 = arith.constant 0 : i32
    return %arg0, %c0_i32 : i32, i32
  }
  func.func @transform_9(%arg0: i32) -> (i32, i32) {
    %c0_i32 = arith.constant 0 : i32
    %c0_i32_0 = arith.constant 0 : i32
    return %arg0, %c0_i32 : i32, i32
  }
}

</mosaic_0001>

<sc_bundles>
// kernel: kernel.11.cloned.1.call-start
scs
__scs_entry_jumppad:
0x0: {  	(pc) =	sbr.rel $0x88, $3  }
0x1: {  	(tag) =	ssettag $0x0;
	lr =	simm.s32 $0x1  }
0x2: {  	[smem:$0x3F97] =	sst lr;
	_ =	strace $0xD0000000  }
0x3: {  	_ = 	snop  }
0x4: {  	_ = 	snop  }
0x5: {  	_ = 	snop  }
0x6: {  	_ = 	snop  }
0x7: {  	_ = 	snop  }
__scs_overlays_trampoline_lowered:
0x8: {  	[smem:$0x3FA6] =	sst s0  }
0x9: {  	[smem:$0x3FA7] =	sst s1  }
0xa: {  	[smem:$0x3FA8] =	sst s2  }
0xb: {  	[smem:$0x3FA9] =	sst s3  }
0xc: {  	[smem:$0x3FAA] =	sst s4  }
0xd: {  	[smem:$0x3FAB] =	sst s5  }
0xe: {  	[smem:$0x3FAC] =	sst s6  }
0xf: {  	[smem:$0x3FAD] =	sst s7  }
0x10: {  	[smem:$0x3FAE] =	sst s8  }
0x11: {  	[smem:$0x3FAF] =	sst s9;
	s0 =	simm.s32 @!p0 $0x0  }
0x12: {  	s1 =	sld [smem:$0x3F95];
	s0 =	simm.s32 @p0 $0x1  }
0x13: {  	[smem:$0x3FB0] =	sst s0;
	s0 =	simm.s32 @!p1 $0x0  }
0x14: {  	s2 =	sld [smem:$0x3F94];
	s0 =	simm.s32 @p1 $0x1  }
0x15: {  	[smem:$0x3FB1] =	sst s0;
	s0 =	simm.s32 @!p2 $0x0  }
0x16: {  	s3 =	sld [smem:$0x3FDB];
	s0 =	simm.s32 @p2 $0x1  }
0x17: {  	s4 =	simm.s32 $0x1BF5;
	[smem:$0x3FB3] =	sst s0  }
0x18: {  	s0 =	sld [smem:$0x3F96];
	_ =	swait.ge [sflag:s4], $0x0  }
0x19: {  	s7 =	sld [smem:$0x3F97]  }
0x1a: {  	s8 =	sadd.s32 $0xFFFFE003, lr  }
0x1b: {  	s9 =	sadd.s32 $0xFFFFFEF7, lr;
	s5 =	simm.s32 $0xFFFFFFFF;
	p2 =	slt.u32 s8, $0xFFFFF086  }
0x1c: {  	p1 =	slt.u32 s9, $0xF7A;
	s5 =	simm.s32 @!p2 $0x0  }
0x1d: {  	s5 =	simm.s32 @p1 $0x1;
	p0 =	seq.s32 s7, s2  }
0x1e: {  	s7 =	smul.u32 @!p0 $0xF7A, s2;
	p2 =	seq.s32 @!p0 s5, $0x0  }
0x1f: {  	s9 =	smul.u32 $0xF7A, s1;
	s8 =	simm.s32 @!p0 $0x1BF5;
	p2 =	por !p2, p0  }
0x20: {  	[sflag:s8] =	ssyncset.s32 @!p0 $0xFFFFF086;
	s6 =	sadd.s32 @!p0 s3, s7;
	s7 =	simm.s32 @!p0 $0x108  }
0x21: {  	s3 =	sadd.s32 s3, s9;
	s6 =	sadd.s32 @!p0 $0x88, s6;
	s7 =	simm.s32 @p2 $0x1082  }
0x22: {  	[simem:s7], [sflag:s8] =	dma.local @!p0 [hbm:s6], $0xF7A  }
0x23: {  	s9 =	sor.u32 $0xD0000000, s2;
	s6 =	simm.s32 $0x108;
	_ =	swait.ge @!p0 [sflag:s8], $0x0  }
0x24: {  	s3 =	sadd.s32 $0x88, s3;
	s6 =	simm.s32 @!p1 $0x1082;
	[sflag:s4] =	ssyncset.s32 $0xFFFFF086  }
0x25: {  	[simem:s6], [sflag:s4] =	dma.local [hbm:s3], $0xF7A  }
0x26: {  	[smem:$0x3F97] =	sst s1;
	(tag) =	ssettag s2;
	_ =	strace s9  }
0x27: {  	s1 =	sld [smem:$0x3FA7]  }
0x28: {  	s2 =	sld [smem:$0x3FA8]  }
0x29: {  	s4 =	sld [smem:$0x3FAA]  }
0x2a: {  	p0 =	seq.s32 s5, $0x0;
	s5 =	sld [smem:$0x3FAB]  }
0x2b: {  	s6 =	sld [smem:$0x3FAC]  }
0x2c: {  	s7 =	sld [smem:$0x3FAD]  }
0x2d: {  	s3 =	simm.s32 $0x108;
	s8 =	sld [smem:$0x3FAE]  }
0x2e: {  	s3 =	simm.s32 @!p0 $0x1082;
	s9 =	sld [smem:$0x3FAF]  }
0x2f: {  	lr =	sadd.s32 s0, s3;
	s0 =	sld [smem:$0x3FA6]  }
0x30: {  	s3 =	sld [smem:$0x3FA9]  }
0x31: {  	[smem:$0x3FB2] =	sst s10  }
0x32: {  	s10 =	sld [smem:$0x3FB0];
	_ =	sdelay $0x3  }
0x33: {  	p0 =	seq.s32 s10, $0x1;
	s10 =	sld [smem:$0x3FB2];
	_ =	sdelay $0x3  }
0x34: {  	[smem:$0x3FB2] =	sst s10  }
0x35: {  	s10 =	sld [smem:$0x3FB1];
	_ =	sdelay $0x3  }
0x36: {  	p1 =	seq.s32 s10, $0x1;
	s10 =	sld [smem:$0x3FB2];
	_ =	sdelay $0x3  }
0x37: {  	[smem:$0x3FB2] =	sst s10  }
0x38: {  	s10 =	sld [smem:$0x3FB3]  }
0x39: {  	_ = 	snop;
	(pc) =	sbr.ind lr, $3  }
0x3a: {  	_ = 	snop  }
0x3b: {  	_ = 	snop  }
0x3c: {  	p2 =	seq.s32 s10, $0x1;
	s10 =	sld [smem:$0x3FB2]  }
0x3d: {  	_ =	shalt  }
0x3e: {  	_ =	shalt  }
0x3f: {  	_ =	shalt  }
0x40: {  	_ =	shalt  }
0x41: {  	_ =	shalt  }
0x42: {  	_ =	shalt  }
0x43: {  	_ =	shalt  }
0x44: {  	_ =	shalt  }
0x45: {  	_ =	shalt  }
0x46: {  	_ =	shalt  }
0x47: {  	_ =	shalt  }
0x48: {  	_ =	shalt  }
0x49: {  	_ =	shalt  }
0x4a: {  	_ =	shalt  }
0x4b: {  	_ =	shalt  }
0x4c: {  	_ =	shalt  }
0x4d: {  	_ =	shalt  }
0x4e: {  	_ =	shalt  }
0x4f: {  	_ =	shalt  }
0x50: {  	_ =	shalt  }
0x51: {  	_ =	shalt  }
0x52: {  	_ =	shalt  }
0x53: {  	_ =	shalt  }
0x54: {  	_ =	shalt  }
0x55: {  	_ =	shalt  }
0x56: {  	_ =	shalt  }
0x57: {  	_ =	shalt  }
0x58: {  	_ =	shalt  }
0x59: {  	_ =	shalt  }
0x5a: {  	_ =	shalt  }
0x5b: {  	_ =	shalt  }
0x5c: {  	_ =	shalt  }
0x5d: {  	_ =	shalt  }
0x5e: {  	_ =	shalt  }
0x5f: {  	_ =	shalt  }
0x60: {  	_ =	shalt  }
0x61: {  	_ =	shalt  }
0x62: {  	_ =	shalt  }
0x63: {  	_ =	shalt  }
0x64: {  	_ =	shalt  }
0x65: {  	_ =	shalt  }
0x66: {  	_ =	shalt  }
0x67: {  	_ =	shalt  }
0x68: {  	_ =	shalt  }
0x69: {  	_ =	shalt  }
0x6a: {  	_ =	shalt  }
0x6b: {  	_ =	shalt  }
0x6c: {  	_ =	shalt  }
0x6d: {  	_ =	shalt  }
0x6e: {  	_ =	shalt  }
0x6f: {  	_ =	shalt  }
0x70: {  	_ =	shalt  }
0x71: {  	_ =	shalt  }
0x72: {  	_ =	shalt  }
0x73: {  	_ =	shalt  }
0x74: {  	_ =	shalt  }
0x75: {  	_ =	shalt  }
0x76: {  	_ =	shalt  }
0x77: {  	_ =	shalt  }
0x78: {  	_ =	shalt  }
0x79: {  	_ =	shalt  }
0x7a: {  	_ =	shalt  }
0x7b: {  	_ =	shalt  }
0x7c: {  	_ =	shalt  }
0x7d: {  	_ =	shalt  }
0x7e: {  	_ =	shalt  }
0x7f: {  	_ =	shalt  }
0x80: {  	_ =	shalt  }
0x81: {  	_ =	shalt  }
0x82: {  	_ =	shalt  }
0x83: {  	_ =	shalt  }
0x84: {  	_ =	shalt  }
0x85: {  	_ =	shalt  }
0x86: {  	_ =	shalt  }
0x87: {  	_ =	shalt  }
.Lfunc_end0:
.L_simem_size_0:
called_computation.1_lowered:
.L_overlay_start_0:
0x88: {  	s2 =	sld [smem:$0x3FD9]  }
0x89: {  	s3 =	sld [smem:$0x3FFE];
	_ =	sdelay $0x1  }
0x8a: {  	s1 =	srdreg.scid  }
0x8b: {  	s0 =	sand.u32 $0x1, s1  }
0x8c: {  	s14 =	sshll.u32 s0, $0xA;
	s2 =	sadd.s32 s3, s2  }
0x8d: {  	s2 =	sadd.s32 s2, s14  }
0x8e: {  	[smem:$0x3FBE] =	sst s2  }
0x8f: {  	_ = 	snop  }
0x90: {  	s2 =	sld [smem:$0x3FD0];
	_ =	sdelay $0x2  }
0x91: {  	s15 =	simm.s32 $0xA;
	s4 =	simm.s32 $0x10  }
0x92: {  	[smem:s4], [sflag:s15] =	dma.local [hbm:s2], $0x1  }
0x93: {  	_ =	swait.eq [sflag:s15], $0x1  }
0x94: {  	[sflag:s15] =	ssyncset.done $0x0  }
0x95: {  	s16 =	sld [smem:$0x10];
	[sflag:s15] =	ssyncadd.s32 $0xFFFFFFFF  }
0x96: {  	s17 =	sld [smem:$0x11];
	(tm) =	ssettm $0x1  }
0x97: {  	s18 =	sld [smem:$0x3FFB];
	_ =	sdelay $0x3  }
0x98: {  	_ =	strace s18  }
0x99: {  	s4 =	sld [smem:$0x3FFC];
	_ =	sdelay $0x3  }
0x9a: {  	_ =	strace s4  }
0x9b: {  	s4 =	sld [smem:$0x3FFD];
	_ =	sdelay $0x3  }
0x9c: {  	_ =	strace s4  }
0x9d: {  	_ =	strace $0x8FFFFFFF  }
0x9e: {  	s19 =	sld [smem:$0x3FDB];
	_ =	sdelay $0x1  }
0x9f: {  	s5 =	simm.s32 $_scs_section_size  }
0xa0: {  	s6 =	simm.s32 $_size__tile_overlayer_lowered;
	s7 =	simm.s32 $_tile_overlayer_lowered  }
0xa1: {  	s22 =	simm.s32 $0x1BFF;
	s21 =	sshll.u32 s7, $0x1;
	s4 =	sadd.s32 s5, s19  }
0xa2: {  	s8 =	simm.s32 $0x0;
	s20 =	sshll.u32 s6, $0x1;
	s6 =	sadd.s32 s21, s4  }
0xa3: {  	[timem:s8], [sflag:s22] =	dma.local [hbm:s6], s20  }
0xa4: {  	_ =	swait.ge [sflag:s22], s20  }
0xa5: {  	s5 =	ssub.s32 $0x0, s20;
	[sflag:s22] =	ssyncset.done $0x0  }
0xa6: {  	[sflag:s22] =	ssyncadd.s32 s5;
	_ =	sdelay $0x1  }
0xa7: {  	s23 =	simm.s32 $0x1B8B  }
0xa8: {  	_ =	swait.ge [sflag:s23], $0x1  }
0xa9: {  	[sflag:s23] =	ssyncset.done $0x0  }
0xaa: {  	s25 =	simm.s32 $0x1B8E;
	s24 =	sld [smem:$0x3FFE];
	[sflag:s23] =	ssyncadd.s32 $0xFFFFFFFF  }
0xab: {  	s26 =	simm.s32 $execute0_lowered;
	[smem:$0x3FD2] =	sst s25  }
0xac: {  	s6 =	sshll.u32 s26, $0x1;
	_ =	strace $0x80000049;
	[dreg:$0x1] =	wrdreg $0xFFFFFFFF  }
0xad: {  	s28 =	simm.s32 $_size_execute0_lowered;
	s4 =	sadd.s32 s4, s6;
	[dreg:$0x0] =	wrdreg $0x0  }
0xae: {  	s6 =	sshll.u32 s28, $0x1;
	[dreg:$0x2] =	wrdreg s4  }
0xaf: {  	[dreg:$0x3] =	wrdreg s6  }
0xb0: {  	[dreg:$0x4] =	wrdreg $0xC0  }
0xb1: {  	_ =	task [dreg:s8], $0x5FFFF  }
0xb2: {  	[dreg:$0x1] =	wrdreg $0xFFFFFFFF  }
0xb3: {  	[dreg:$0x0] =	wrdreg $0x60  }
0xb4: {  	[dreg:$0x2] =	wrdreg s24  }
0xb5: {  	[dreg:$0x3] =	wrdreg s16  }
0xb6: {  	[dreg:$0x4] =	wrdreg s17  }
0xb7: {  	[dreg:$0x5] =	wrdreg $0x90000  }
0xb8: {  	[dreg:$0x6] =	wrdreg $0x9  }
0xb9: {  	_ =	task.clear_ibuf [dreg:s8], $0x7FFFF;
	_ =	strace $0x90000049  }
0xba: {  	s29 =	simm.s32 $0x9;
	_ =	strace $0x8000004B  }
0xbb: {  	_ =	swait.ge [sflag:s29], $0x1  }
0xbc: {  	[sflag:s29] =	ssyncadd.s32 $0xFFFFFFFF  }
0xbd: {  	_ =	strace $0x9000004B  }
0xbe: {  	_ =	sfence  }
0xbf: {  	s30 =	sld [smem:$0x0];
	_ =	sdelay $0x2  }
0xc0: {  	s31 =	sshll.u32 s1, $0xD;
	s1 =	sshrl.u32 s1, $0x2  }
0xc1: {  	s3 =	sand.u32 $0x4000, s31;
	s1 =	sadd.s32 s1, s30  }
0xc2: {  	s0 =	sor.u32 s3, s0;
	s1 =	sshll.u32 s1, $0x11  }
0xc3: {  	s0 =	sor.u32 s1, s0  }
0xc4: {  	s0 =	sadd.s32 $0x8F2B, s0  }
0xc5: {  	[sflag:s0] =	ssyncadd.remote.s32 $0x1  }
0xc6: {  	_ =	sfence.sel $0xFFFF  }
0xc7: {  	[dreg:$0x0] =	wrdreg $0xFFFFFFFF;
	(pc) =	sbr.abs _section_cstart, $3  }
0xc8: {  	[dreg:$0x1] =	wrdreg $0xFFFFFFFF  }
0xc9: {  	_ =	task.clear_ibuf [dreg:s8], $0x2FFFF;
	_ =	strace $0x9FFFFFFF  }
0xca: {  	(tm) =	ssettm $0x7FFFFFFF  }
0xcb: {  	_ =	shalt  }
tec
execute0_lowered:
.L_overlay_start_1:
0x0: {  	(tag) =	ssettag $0x1  }
0x1: {  	s6 =	rddreg [dreg:$0x0]  }
0x2: {  	s7 =	rddreg [dreg:$0x1]  }
0x3: {  	s8 =	rddreg [dreg:$0x2]  }
0x4: {  	s1 =	rddreg [dreg:$0x3];
	s3 =	simm.s32 $0x0;
	s5 =	srdreg.scid  }
0x5: {  	s0 =	stileid.u32;
	s25 =	simm.s32 $0x2800;
	s28 =	simm.s32 $0x1  }
0x6: {  	s29 =	simm.s32 $0x0;
	[smem:$0x7FF] =	sst s3;
	s4 =	sadd.s32 $0x53A00, s6  }
0x7: {  	s9 =	sand.u32 $0x1, s5;
	s10 =	sshll.u32 s0, $0x1;
	s11 =	smul.u32 $0x50000, s0  }
0x8: {  	s5 =	sadd.s32 $0x2A00, s6;
	s22 =	sadd.s32 $0x7BA00, s6;
	s18 =	smul.u32 $0x14000, s0  }
0x9: {  	s10 =	sor.u32 s9, s10;
	s26 =	ssub.s32 $0x2, s9;
	s19 =	smul.u32 $0x140000, s9  }
0xa: {  	_ =	strace $0x8000004A;
	s10 =	smul.u32 $0x500, s10;
	s12 =	sshrl.u32 s26, $0x1  }
0xb: {  	s11 =	sshrl.u32 s11, $0x2;
	s15 =	sadd.s32 $0x4000, s18;
	s20 =	sadd.s32 $0x8000, s18  }
0xc: {  	s21 =	sadd.s32 $0xC000, s18;
	s23 =	sadd.s32 $0x10000, s18;
	s30 =	ssub.s32 s26, s12  }
0xd: {  	s6 =	sadd.s32 s11, s1;
	s13 =	sadd.s32 s19, s18;
	s16 =	sadd.s32 s19, s15  }
0xe: {  	s15 =	sadd.s32 s15, s1;
	s17 =	sadd.s32 s20, s1;
	s20 =	sadd.s32 s19, s20  }
0xf: {  	s31 =	sadd.s32 s19, s21;
	s24 =	sadd.s32 s19, s23;
	s19 =	sadd.s32 s21, s1  }
0x10: {  	s21 =	sadd.s32 s23, s1;
	s23 =	simm.s32 $0x5000;
	s26 =	simm.s32 $0x80  }
0x11: {  	s7 =	sadd.s32 s7, s10;
	s8 =	sadd.s32 s8, s10;
	s9 =	smax.u32 s30, $0x1  }
0x12: {  	s10 =	sadd.s32 $0x4000, s6;
	s11 =	sadd.s32 $0x8000, s6;
	s12 =	sadd.s32 $0xC000, s6  }
0x13: {  	s14 =	sshrl.u32 s13, $0x3;
	s13 =	sadd.s32 $0x10000, s6;
	s16 =	sshrl.u32 s16, $0x3  }
0x14: {  	s20 =	sshrl.u32 s20, $0x3;
	s24 =	sshrl.u32 s24, $0x3;
	s14 =	sadd.s32 s22, s14  }
0x15: {  	s16 =	sadd.s32 s22, s16;
	s18 =	sadd.s32 s22, s20;
	s20 =	sshrl.u32 s31, $0x3  }
0x16: {  	s20 =	sadd.s32 s22, s20;
	s22 =	sadd.s32 s22, s24;
	s24 =	simm.s32 $0x2  }
.LBB2_1:
0x17: {  	[tilespmem:s23], [sflag:$0x2] =	stream.linear.gather [hbm4b:s5+s3], $0x4000, $0x38;
	[tilespmem:$0x1D000] =	vst v63  }
0x18: {  	_ =	swait.ge [sflag:s24], $0x4000  }
0x19: {  	[sflag:s24] =	ssyncset.done $0x0  }
0x1a: {  	[sflag:s24] =	ssyncadd.s32 $0xFFFFC000  }
0x1b: {  	[spmem:s6] =	stream.linear.scatter [tilespmem:s23], [sflag:$0x2], $0x4000, $0x38;
	[tilespmem:$0x1D000] =	vst v63  }
0x1c: {  	_ =	swait.ge [sflag:s24], $0x4000  }
0x1d: {  	[sflag:s24] =	ssyncset.done $0x0  }
0x1e: {  	[sflag:s24] =	ssyncadd.s32 $0xFFFFC000  }
0x1f: {  	[spmem:s10] =	stream.linear.scatter [tilespmem:s23], [sflag:$0x2], $0x4000, $0x38;
	[tilespmem:$0x1D000] =	vst v63  }
0x20: {  	_ =	swait.ge [sflag:s24], $0x4000  }
0x21: {  	[sflag:s24] =	ssyncset.done $0x0  }
0x22: {  	[sflag:s24] =	ssyncadd.s32 $0xFFFFC000  }
0x23: {  	[spmem:s11] =	stream.linear.scatter [tilespmem:s23], [sflag:$0x2], $0x4000, $0x38;
	[tilespmem:$0x1D000] =	vst v63  }
0x24: {  	_ =	swait.ge [sflag:s24], $0x4000  }
0x25: {  	[sflag:s24] =	ssyncset.done $0x0  }
0x26: {  	[sflag:s24] =	ssyncadd.s32 $0xFFFFC000  }
0x27: {  	[spmem:s12] =	stream.linear.scatter [tilespmem:s23], [sflag:$0x2], $0x4000, $0x38;
	[tilespmem:$0x1D000] =	vst v63  }
0x28: {  	_ =	swait.ge [sflag:s24], $0x4000  }
0x29: {  	[sflag:s24] =	ssyncset.done $0x0  }
0x2a: {  	[sflag:s24] =	ssyncadd.s32 $0xFFFFC000  }
0x2b: {  	[spmem:s13] =	stream.linear.scatter [tilespmem:s23], [sflag:$0x2], $0x4000, $0x38;
	[tilespmem:$0x1D000] =	vst v63  }
0x2c: {  	_ =	swait.ge [sflag:s24], $0x4000  }
0x2d: {  	[sflag:s24] =	ssyncset.done $0x0  }
0x2e: {  	[sflag:s24] =	ssyncadd.s32 $0xFFFFC000  }
0x2f: {  	[tilespmem:s3], [sflag:$0x2] =	stream.linear.gather [hbm4b:s7+s3], $0x2780, $0x38;
	[tilespmem:$0x1D000] =	vst v63  }
0x30: {  	_ =	swait.ge [sflag:s24], $0x2780  }
0x31: {  	[sflag:s24] =	ssyncset.done $0x0  }
0x32: {  	[sflag:s24] =	ssyncadd.s32 $0xFFFFD880  }
0x33: {  	[tilespmem:s25], [sflag:$0x2] =	stream.linear.gather [hbm4b:s8+s3], $0x2780, $0x38;
	[tilespmem:$0x1D000] =	vst v63  }
0x34: {  	_ =	swait.ge [sflag:s24], $0x2780  }
0x35: {  	[sflag:s24] =	ssyncset.done $0x0  }
0x36: {  	[sflag:s24] =	ssyncadd.s32 $0xFFFFD880  }
0x37: {  	s30 =	simm.s32 $0x0;
	[bflag:$0x0] =	sbarrier.arrive $0xFFFF  }
0x38: {  	[tilespmem:s23], [sflag:$0x1] =	stream.indirect.gather [hbm4b:s4+s26], $0x80, s30, s26, $0xb8;
	[tilespmem:$0x1D000] =	vst v63  }
0x39: {  	_ =	swait.ge [sflag:s28], $0x4000  }
0x3a: {  	[sflag:s28] =	ssyncset.done $0x0  }
0x3b: {  	s30 =	simm.s32 $0x2800;
	[sflag:s28] =	ssyncadd.s32 $0xFFFFC000  }
0x3c: {  	[spmem:s1] =	stream.indirect.scatter.add.f32 [tilespmem:s23], [sflag:$0x2], $0x80, s30, s26, $0xb8;
	[tilespmem:$0x1D000] =	vst v63  }
0x3d: {  	_ =	swait.ge [sflag:s24], $0x4000  }
0x3e: {  	s31 =	simm.s32 $0x400;
	s30 =	simm.s32 $0x200;
	[sflag:s24] =	ssyncset.done $0x0  }
.LBB2_2:
0x3f: {  	s0 =	sshra.s32 s30, $0x2  }
0x40: {  	[sflag:s24] =	ssyncadd.s32 $0xFFFFC000;
	s30 =	smov.u32 s31;
	s2 =	sadd.s32 $0x200, s31  }
0x41: {  	[tilespmem:s23], [sflag:$0x1] =	stream.indirect.gather [hbm4b:s4+s26], $0x80, s0, s26, $0xb8;
	[tilespmem:$0x1D000] =	vst v63  }
0x42: {  	p0 =	sne.s32 s31, $0x9C00;
	_ =	swait.ge [sflag:s28], $0x4000  }
.Ltmp0:
0x43: {  	[sflag:s28] =	ssyncset.done $0x0;
	(pc) =	sbr.rel @p0 .LBB2_2-.Ltmp0, $4  }
0x44: {  	s0 =	sadd.s32 $0x2800, s0;
	[sflag:s28] =	ssyncadd.s32 $0xFFFFC000  }
0x45: {  	[spmem:s1] =	stream.indirect.scatter.add.f32 [tilespmem:s23], [sflag:$0x2], $0x80, s0, s26, $0xb8;
	[tilespmem:$0x1D000] =	vst v63  }
0x46: {  	_ =	swait.ge [sflag:s24], $0x4000  }
0x47: {  	s31 =	smov.u32 s2;
	[sflag:s24] =	ssyncset.done $0x0  }
0x48: {  	s0 =	sshra.s32 s30, $0x2;
	[sflag:s24] =	ssyncadd.s32 $0xFFFFC000  }
0x49: {  	[tilespmem:s23], [sflag:$0x1] =	stream.indirect.gather [hbm4b:s4+s26], $0x80, s0, s26, $0xb8;
	[tilespmem:$0x1D000] =	vst v63  }
0x4a: {  	_ =	swait.ge [sflag:s28], $0x4000  }
0x4b: {  	[sflag:s28] =	ssyncset.done $0x0  }
0x4c: {  	s0 =	sadd.s32 $0x2800, s0;
	[sflag:s28] =	ssyncadd.s32 $0xFFFFC000  }
0x4d: {  	[spmem:s1] =	stream.indirect.scatter.add.f32 [tilespmem:s23], [sflag:$0x2], $0x80, s0, s26, $0xb8;
	[tilespmem:$0x1D000] =	vst v63  }
0x4e: {  	_ =	swait.ge [sflag:s24], $0x4000  }
0x4f: {  	[sflag:s24] =	ssyncset.done $0x0  }
0x50: {  	[sflag:s24] =	ssyncadd.s32 $0xFFFFC000  }
0x51: {  	[bflag:$0x0] =	sbarrier.arrive $0xFFFF  }
0x52: {  	[tilespmem:s23], [sflag:$0x2] =	stream.linear.gather [spmem:s6], $0x4000, $0x38;
	[tilespmem:$0x1D000] =	vst v63  }
0x53: {  	_ =	swait.ge [sflag:s24], $0x4000  }
0x54: {  	[sflag:s24] =	ssyncset.done $0x0  }
0x55: {  	[sflag:s24] =	ssyncadd.s32 $0xFFFFC000  }
0x56: {  	[hbm4b:s14+s3] =	stream.linear.scatter [tilespmem:s23], [sflag:$0x2], $0x4000, $0x38;
	[tilespmem:$0x1D000] =	vst v63  }
0x57: {  	_ =	swait.ge [sflag:s24], $0x4000  }
0x58: {  	[sflag:s24] =	ssyncset.done $0x0  }
0x59: {  	[sflag:s24] =	ssyncadd.s32 $0xFFFFC000  }
0x5a: {  	[tilespmem:s23], [sflag:$0x2] =	stream.linear.gather [spmem:s15], $0x4000, $0x38;
	[tilespmem:$0x1D000] =	vst v63  }
0x5b: {  	_ =	swait.ge [sflag:s24], $0x4000  }
0x5c: {  	[sflag:s24] =	ssyncset.done $0x0  }
0x5d: {  	[sflag:s24] =	ssyncadd.s32 $0xFFFFC000  }
0x5e: {  	[hbm4b:s16+s3] =	stream.linear.scatter [tilespmem:s23], [sflag:$0x2], $0x4000, $0x38;
	[tilespmem:$0x1D000] =	vst v63  }
0x5f: {  	_ =	swait.ge [sflag:s24], $0x4000  }
0x60: {  	[sflag:s24] =	ssyncset.done $0x0  }
0x61: {  	[sflag:s24] =	ssyncadd.s32 $0xFFFFC000  }
0x62: {  	[tilespmem:s23], [sflag:$0x2] =	stream.linear.gather [spmem:s17], $0x4000, $0x38;
	[tilespmem:$0x1D000] =	vst v63  }
0x63: {  	_ =	swait.ge [sflag:s24], $0x4000  }
0x64: {  	[sflag:s24] =	ssyncset.done $0x0  }
0x65: {  	[sflag:s24] =	ssyncadd.s32 $0xFFFFC000  }
0x66: {  	[hbm4b:s18+s3] =	stream.linear.scatter [tilespmem:s23], [sflag:$0x2], $0x4000, $0x38;
	[tilespmem:$0x1D000] =	vst v63  }
0x67: {  	_ =	swait.ge [sflag:s24], $0x4000  }
0x68: {  	[sflag:s24] =	ssyncset.done $0x0  }
0x69: {  	[sflag:s24] =	ssyncadd.s32 $0xFFFFC000  }
0x6a: {  	[tilespmem:s23], [sflag:$0x2] =	stream.linear.gather [spmem:s19], $0x4000, $0x38;
	[tilespmem:$0x1D000] =	vst v63  }
0x6b: {  	_ =	swait.ge [sflag:s24], $0x4000  }
0x6c: {  	[sflag:s24] =	ssyncset.done $0x0  }
0x6d: {  	[sflag:s24] =	ssyncadd.s32 $0xFFFFC000  }
0x6e: {  	[hbm4b:s20+s3] =	stream.linear.scatter [tilespmem:s23], [sflag:$0x2], $0x4000, $0x38;
	[tilespmem:$0x1D000] =	vst v63  }
0x6f: {  	_ =	swait.ge [sflag:s24], $0x4000  }
0x70: {  	[sflag:s24] =	ssyncset.done $0x0  }
0x71: {  	[sflag:s24] =	ssyncadd.s32 $0xFFFFC000  }
0x72: {  	[tilespmem:s23], [sflag:$0x2] =	stream.linear.gather [spmem:s21], $0x4000, $0x38;
	[tilespmem:$0x1D000] =	vst v63  }
0x73: {  	s29 =	sadd.s32 $0x1, s29;
	_ =	swait.ge [sflag:s24], $0x4000  }
0x74: {  	p0 =	sne.s32 s29, s9;
	[sflag:s24] =	ssyncset.done $0x0  }
.Ltmp1:
0x75: {  	[sflag:s24] =	ssyncadd.s32 $0xFFFFC000;
	(pc) =	sbr.rel @p0 .LBB2_1-.Ltmp1, $4  }
0x76: {  	[hbm4b:s22+s3] =	stream.linear.scatter [tilespmem:s23], [sflag:$0x2], $0x4000, $0x38;
	[tilespmem:$0x1D000] =	vst v63  }
0x77: {  	_ =	swait.ge [sflag:s24], $0x4000  }
0x78: {  	[sflag:s24] =	ssyncset.done $0x0  }
0x79: {  	[sflag:s24] =	ssyncadd.s32 $0xFFFFC000  }
0x7a: {  	_ =	sfence.sel $0x180000  }
0x7b: {  	[bflag:$0x0] =	sbarrier.arrive $0xFFFF  }
0x7c: {  	_ =	strace $0x9000004A  }
0x7d: {  	s0 =	stileid.u32;
	[bflag:$0x2] =	sbarrier.arrive $0xFFFF  }
0x7e: {  	p0 =	sne.s32 s0, $0x0;
	s0 =	rddreg [dreg:$0x4]  }
0x7f: {  	s0 =	sadd.s32 @!p0 $0x100000, s0  }
0x80: {  	[sflag:s0] =	ssyncadd.tile.s32 @!p0 $0x1;
	_ =	shalt  }
.Lfunc_end2:
_tile_overlayer_lowered:
.L_overlay_start_2:
0x81: {  	(tag) =	ssettag $0x2  }
0x82: {  	s0 =	rddreg [dreg:$0x0];
	s2 =	stileid.u32  }
0x83: {  	s1 =	rddreg [dreg:$0x1];
	p0 =	sne.s32 s2, $0x0  }
0x84: {  	s3 =	rddreg [dreg:$0x2];
	[bflag:$0x3] =	sbarrier.arrive $0xFFFF;
	s2 =	simm.s32 @!p0 $0x1C02  }
0x85: {  	[timem:s3], [sflag:s2] =	dma.local @!p0 [hbm:s0], s1  }
0x86: {  	s0 =	simm.s32 @!p0 $0x2  }
0x87: {  	_ =	swait.ge @!p0 [sflag:s0], s1  }
0x88: {  	s1 =	ssub.s32 @!p0 $0x0, s1;
	[sflag:s0] =	ssyncset.done @!p0 $0x0  }
0x89: {  	[sflag:s0] =	ssyncadd.s32 @!p0 s1  }
0x8a: {  	[bflag:$0x3] =	sbarrier.arrive $0xFFFF  }
0x8b: {  	_ =	shalt  }

// kernel: kernel.14.cloned.1.call-start
scs
__scs_entry_jumppad:
0x0: {  	(pc) =	sbr.rel $0x88, $3  }
0x1: {  	(tag) =	ssettag $0x0;
	lr =	simm.s32 $0x1  }
0x2: {  	[smem:$0x3F97] =	sst lr;
	_ =	strace $0xD0000000  }
0x3: {  	_ = 	snop  }
0x4: {  	_ = 	snop  }
0x5: {  	_ = 	snop  }
0x6: {  	_ = 	snop  }
0x7: {  	_ = 	snop  }
__scs_overlays_trampoline_lowered:
0x8: {  	[smem:$0x3FA6] =	sst s0  }
0x9: {  	[smem:$0x3FA7] =	sst s1  }
0xa: {  	[smem:$0x3FA8] =	sst s2  }
0xb: {  	[smem:$0x3FA9] =	sst s3  }
0xc: {  	[smem:$0x3FAA] =	sst s4  }
0xd: {  	[smem:$0x3FAB] =	sst s5  }
0xe: {  	[smem:$0x3FAC] =	sst s6  }
0xf: {  	[smem:$0x3FAD] =	sst s7  }
0x10: {  	[smem:$0x3FAE] =	sst s8  }
0x11: {  	[smem:$0x3FAF] =	sst s9;
	s0 =	simm.s32 @!p0 $0x0  }
0x12: {  	s1 =	sld [smem:$0x3F95];
	s0 =	simm.s32 @p0 $0x1  }
0x13: {  	[smem:$0x3FB0] =	sst s0;
	s0 =	simm.s32 @!p1 $0x0  }
0x14: {  	s2 =	sld [smem:$0x3F94];
	s0 =	simm.s32 @p1 $0x1  }
0x15: {  	[smem:$0x3FB1] =	sst s0;
	s0 =	simm.s32 @!p2 $0x0  }
0x16: {  	s3 =	sld [smem:$0x3FDB];
	s0 =	simm.s32 @p2 $0x1  }
0x17: {  	s4 =	simm.s32 $0x1BF5;
	[smem:$0x3FB3] =	sst s0  }
0x18: {  	s0 =	sld [smem:$0x3F96];
	_ =	swait.ge [sflag:s4], $0x0  }
0x19: {  	s7 =	sld [smem:$0x3F97]  }
0x1a: {  	s8 =	sadd.s32 $0xFFFFE003, lr  }
0x1b: {  	s9 =	sadd.s32 $0xFFFFFEF7, lr;
	s5 =	simm.s32 $0xFFFFFFFF;
	p2 =	slt.u32 s8, $0xFFFFF086  }
0x1c: {  	p1 =	slt.u32 s9, $0xF7A;
	s5 =	simm.s32 @!p2 $0x0  }
0x1d: {  	s5 =	simm.s32 @p1 $0x1;
	p0 =	seq.s32 s7, s2  }
0x1e: {  	s7 =	smul.u32 @!p0 $0xF7A, s2;
	p2 =	seq.s32 @!p0 s5, $0x0  }
0x1f: {  	s9 =	smul.u32 $0xF7A, s1;
	s8 =	simm.s32 @!p0 $0x1BF5;
	p2 =	por !p2, p0  }
0x20: {  	[sflag:s8] =	ssyncset.s32 @!p0 $0xFFFFF086;
	s6 =	sadd.s32 @!p0 s3, s7;
	s7 =	simm.s32 @!p0 $0x108  }
0x21: {  	s3 =	sadd.s32 s3, s9;
	s6 =	sadd.s32 @!p0 $0x88, s6;
	s7 =	simm.s32 @p2 $0x1082  }
0x22: {  	[simem:s7], [sflag:s8] =	dma.local @!p0 [hbm:s6], $0xF7A  }
0x23: {  	s9 =	sor.u32 $0xD0000000, s2;
	s6 =	simm.s32 $0x108;
	_ =	swait.ge @!p0 [sflag:s8], $0x0  }
0x24: {  	s3 =	sadd.s32 $0x88, s3;
	s6 =	simm.s32 @!p1 $0x1082;
	[sflag:s4] =	ssyncset.s32 $0xFFFFF086  }
0x25: {  	[simem:s6], [sflag:s4] =	dma.local [hbm:s3], $0xF7A  }
0x26: {  	[smem:$0x3F97] =	sst s1;
	(tag) =	ssettag s2;
	_ =	strace s9  }
0x27: {  	s1 =	sld [smem:$0x3FA7]  }
0x28: {  	s2 =	sld [smem:$0x3FA8]  }
0x29: {  	s4 =	sld [smem:$0x3FAA]  }
0x2a: {  	p0 =	seq.s32 s5, $0x0;
	s5 =	sld [smem:$0x3FAB]  }
0x2b: {  	s6 =	sld [smem:$0x3FAC]  }
0x2c: {  	s7 =	sld [smem:$0x3FAD]  }
0x2d: {  	s3 =	simm.s32 $0x108;
	s8 =	sld [smem:$0x3FAE]  }
0x2e: {  	s3 =	simm.s32 @!p0 $0x1082;
	s9 =	sld [smem:$0x3FAF]  }
0x2f: {  	lr =	sadd.s32 s0, s3;
	s0 =	sld [smem:$0x3FA6]  }
0x30: {  	s3 =	sld [smem:$0x3FA9]  }
0x31: {  	[smem:$0x3FB2] =	sst s10  }
0x32: {  	s10 =	sld [smem:$0x3FB0];
	_ =	sdelay $0x3  }
0x33: {  	p0 =	seq.s32 s10, $0x1;
	s10 =	sld [smem:$0x3FB2];
	_ =	sdelay $0x3  }
0x34: {  	[smem:$0x3FB2] =	sst s10  }
0x35: {  	s10 =	sld [smem:$0x3FB1];
	_ =	sdelay $0x3  }
0x36: {  	p1 =	seq.s32 s10, $0x1;
	s10 =	sld [smem:$0x3FB2];
	_ =	sdelay $0x3  }
0x37: {  	[smem:$0x3FB2] =	sst s10  }
0x38: {  	s10 =	sld [smem:$0x3FB3]  }
0x39: {  	_ = 	snop;
	(pc) =	sbr.ind lr, $3  }
0x3a: {  	_ = 	snop  }
0x3b: {  	_ = 	snop  }
0x3c: {  	p2 =	seq.s32 s10, $0x1;
	s10 =	sld [smem:$0x3FB2]  }
0x3d: {  	_ =	shalt  }
0x3e: {  	_ =	shalt  }
0x3f: {  	_ =	shalt  }
0x40: {  	_ =	shalt  }
0x41: {  	_ =	shalt  }
0x42: {  	_ =	shalt  }
0x43: {  	_ =	shalt  }
0x44: {  	_ =	shalt  }
0x45: {  	_ =	shalt  }
0x46: {  	_ =	shalt  }
0x47: {  	_ =	shalt  }
0x48: {  	_ =	shalt  }
0x49: {  	_ =	shalt  }
0x4a: {  	_ =	shalt  }
0x4b: {  	_ =	shalt  }
0x4c: {  	_ =	shalt  }
0x4d: {  	_ =	shalt  }
0x4e: {  	_ =	shalt  }
0x4f: {  	_ =	shalt  }
0x50: {  	_ =	shalt  }
0x51: {  	_ =	shalt  }
0x52: {  	_ =	shalt  }
0x53: {  	_ =	shalt  }
0x54: {  	_ =	shalt  }
0x55: {  	_ =	shalt  }
0x56: {  	_ =	shalt  }
0x57: {  	_ =	shalt  }
0x58: {  	_ =	shalt  }
0x59: {  	_ =	shalt  }
0x5a: {  	_ =	shalt  }
0x5b: {  	_ =	shalt  }
0x5c: {  	_ =	shalt  }
0x5d: {  	_ =	shalt  }
0x5e: {  	_ =	shalt  }
0x5f: {  	_ =	shalt  }
0x60: {  	_ =	shalt  }
0x61: {  	_ =	shalt  }
0x62: {  	_ =	shalt  }
0x63: {  	_ =	shalt  }
0x64: {  	_ =	shalt  }
0x65: {  	_ =	shalt  }
0x66: {  	_ =	shalt  }
0x67: {  	_ =	shalt  }
0x68: {  	_ =	shalt  }
0x69: {  	_ =	shalt  }
0x6a: {  	_ =	shalt  }
0x6b: {  	_ =	shalt  }
0x6c: {  	_ =	shalt  }
0x6d: {  	_ =	shalt  }
0x6e: {  	_ =	shalt  }
0x6f: {  	_ =	shalt  }
0x70: {  	_ =	shalt  }
0x71: {  	_ =	shalt  }
0x72: {  	_ =	shalt  }
0x73: {  	_ =	shalt  }
0x74: {  	_ =	shalt  }
0x75: {  	_ =	shalt  }
0x76: {  	_ =	shalt  }
0x77: {  	_ =	shalt  }
0x78: {  	_ =	shalt  }
0x79: {  	_ =	shalt  }
0x7a: {  	_ =	shalt  }
0x7b: {  	_ =	shalt  }
0x7c: {  	_ =	shalt  }
0x7d: {  	_ =	shalt  }
0x7e: {  	_ =	shalt  }
0x7f: {  	_ =	shalt  }
0x80: {  	_ =	shalt  }
0x81: {  	_ =	shalt  }
0x82: {  	_ =	shalt  }
0x83: {  	_ =	shalt  }
0x84: {  	_ =	shalt  }
0x85: {  	_ =	shalt  }
0x86: {  	_ =	shalt  }
0x87: {  	_ =	shalt  }
.Lfunc_end0:
.L_simem_size_0:
called_computation.2_lowered:
.L_overlay_start_0:
0x88: {  	s2 =	sld [smem:$0x3FD9]  }
0x89: {  	s3 =	sld [smem:$0x3FFE];
	_ =	sdelay $0x1  }
0x8a: {  	s1 =	srdreg.scid  }
0x8b: {  	s0 =	sand.u32 $0x1, s1  }
0x8c: {  	s14 =	sshll.u32 s0, $0xA;
	s2 =	sadd.s32 s3, s2  }
0x8d: {  	s2 =	sadd.s32 s2, s14  }
0x8e: {  	[smem:$0x3FBE] =	sst s2  }
0x8f: {  	_ = 	snop  }
0x90: {  	s2 =	sld [smem:$0x3FD0];
	_ =	sdelay $0x2  }
0x91: {  	s15 =	simm.s32 $0xA;
	s4 =	simm.s32 $0x10  }
0x92: {  	[smem:s4], [sflag:s15] =	dma.local [hbm:s2], $0x1  }
0x93: {  	_ =	swait.eq [sflag:s15], $0x1  }
0x94: {  	[sflag:s15] =	ssyncset.done $0x0  }
0x95: {  	s16 =	sld [smem:$0x10];
	[sflag:s15] =	ssyncadd.s32 $0xFFFFFFFF  }
0x96: {  	s17 =	sld [smem:$0x11];
	(tm) =	ssettm $0x1  }
0x97: {  	s18 =	sld [smem:$0x3FFB];
	_ =	sdelay $0x3  }
0x98: {  	_ =	strace s18  }
0x99: {  	s4 =	sld [smem:$0x3FFC];
	_ =	sdelay $0x3  }
0x9a: {  	_ =	strace s4  }
0x9b: {  	s4 =	sld [smem:$0x3FFD];
	_ =	sdelay $0x3  }
0x9c: {  	_ =	strace s4  }
0x9d: {  	_ =	strace $0x8FFFFFFF  }
0x9e: {  	s19 =	sld [smem:$0x3FDB];
	_ =	sdelay $0x1  }
0x9f: {  	s5 =	simm.s32 $_scs_section_size  }
0xa0: {  	s6 =	simm.s32 $_size__tile_overlayer_lowered;
	s7 =	simm.s32 $_tile_overlayer_lowered  }
0xa1: {  	s22 =	simm.s32 $0x1BFF;
	s21 =	sshll.u32 s7, $0x1;
	s4 =	sadd.s32 s5, s19  }
0xa2: {  	s8 =	simm.s32 $0x0;
	s20 =	sshll.u32 s6, $0x1;
	s6 =	sadd.s32 s21, s4  }
0xa3: {  	[timem:s8], [sflag:s22] =	dma.local [hbm:s6], s20  }
0xa4: {  	_ =	swait.ge [sflag:s22], s20  }
0xa5: {  	s5 =	ssub.s32 $0x0, s20;
	[sflag:s22] =	ssyncset.done $0x0  }
0xa6: {  	[sflag:s22] =	ssyncadd.s32 s5;
	_ =	sdelay $0x1  }
0xa7: {  	s23 =	simm.s32 $0x1B8B  }
0xa8: {  	_ =	swait.ge [sflag:s23], $0x1  }
0xa9: {  	[sflag:s23] =	ssyncset.done $0x0  }
0xaa: {  	s25 =	simm.s32 $0x1B8E;
	s24 =	sld [smem:$0x3FFE];
	[sflag:s23] =	ssyncadd.s32 $0xFFFFFFFF  }
0xab: {  	s26 =	simm.s32 $execute0_lowered;
	[smem:$0x3FD2] =	sst s25  }
0xac: {  	s6 =	sshll.u32 s26, $0x1;
	_ =	strace $0x8000004C;
	[dreg:$0x1] =	wrdreg $0xFFFFFFFF  }
0xad: {  	s28 =	simm.s32 $_size_execute0_lowered;
	s4 =	sadd.s32 s4, s6;
	[dreg:$0x0] =	wrdreg $0x0  }
0xae: {  	s6 =	sshll.u32 s28, $0x1;
	[dreg:$0x2] =	wrdreg s4  }
0xaf: {  	[dreg:$0x3] =	wrdreg s6  }
0xb0: {  	[dreg:$0x4] =	wrdreg $0xC0  }
0xb1: {  	_ =	task [dreg:s8], $0x5FFFF  }
0xb2: {  	[dreg:$0x1] =	wrdreg $0xFFFFFFFF  }
0xb3: {  	[dreg:$0x0] =	wrdreg $0x60  }
0xb4: {  	[dreg:$0x2] =	wrdreg s24  }
0xb5: {  	[dreg:$0x3] =	wrdreg s16  }
0xb6: {  	[dreg:$0x4] =	wrdreg s17  }
0xb7: {  	[dreg:$0x5] =	wrdreg $0x90000  }
0xb8: {  	[dreg:$0x6] =	wrdreg $0x9  }
0xb9: {  	_ =	task.clear_ibuf [dreg:s8], $0x7FFFF;
	_ =	strace $0x9000004C  }
0xba: {  	s29 =	simm.s32 $0x9;
	_ =	strace $0x8000004E  }
0xbb: {  	_ =	swait.ge [sflag:s29], $0x1  }
0xbc: {  	[sflag:s29] =	ssyncadd.s32 $0xFFFFFFFF  }
0xbd: {  	_ =	strace $0x9000004E  }
0xbe: {  	_ =	sfence  }
0xbf: {  	s30 =	sld [smem:$0x0];
	_ =	sdelay $0x2  }
0xc0: {  	s31 =	sshll.u32 s1, $0xD;
	s1 =	sshrl.u32 s1, $0x2  }
0xc1: {  	s3 =	sand.u32 $0x4000, s31;
	s1 =	sadd.s32 s1, s30  }
0xc2: {  	s0 =	sor.u32 s3, s0;
	s1 =	sshll.u32 s1, $0x11  }
0xc3: {  	s0 =	sor.u32 s1, s0  }
0xc4: {  	s0 =	sadd.s32 $0x8F2B, s0  }
0xc5: {  	[sflag:s0] =	ssyncadd.remote.s32 $0x1  }
0xc6: {  	_ =	sfence.sel $0xFFFF  }
0xc7: {  	[dreg:$0x0] =	wrdreg $0xFFFFFFFF;
	(pc) =	sbr.abs _section_cstart, $3  }
0xc8: {  	[dreg:$0x1] =	wrdreg $0xFFFFFFFF  }
0xc9: {  	_ =	task.clear_ibuf [dreg:s8], $0x2FFFF;
	_ =	strace $0x9FFFFFFF  }
0xca: {  	(tm) =	ssettm $0x7FFFFFFF  }
0xcb: {  	_ =	shalt  }
tec
execute0_lowered:
.L_overlay_start_1:
0x0: {  	(tag) =	ssettag $0x1  }
0x1: {  	s6 =	rddreg [dreg:$0x0]  }
0x2: {  	s7 =	rddreg [dreg:$0x1]  }
0x3: {  	s8 =	rddreg [dreg:$0x2]  }
0x4: {  	s1 =	rddreg [dreg:$0x3];
	s3 =	simm.s32 $0x0;
	s5 =	srdreg.scid  }
0x5: {  	s0 =	stileid.u32;
	s25 =	simm.s32 $0x2800;
	s28 =	simm.s32 $0x1  }
0x6: {  	s29 =	simm.s32 $0x0;
	[smem:$0x7FF] =	sst s3;
	s4 =	sadd.s32 $0x53A00, s6  }
0x7: {  	s9 =	sand.u32 $0x1, s5;
	s10 =	sshll.u32 s0, $0x1;
	s11 =	smul.u32 $0x50000, s0  }
0x8: {  	s5 =	sadd.s32 $0x2A00, s6;
	s22 =	sadd.s32 $0x7BA00, s6;
	s18 =	smul.u32 $0x14000, s0  }
0x9: {  	s10 =	sor.u32 s9, s10;
	s26 =	ssub.s32 $0x2, s9;
	s19 =	smul.u32 $0x140000, s9  }
0xa: {  	_ =	strace $0x8000004D;
	s10 =	smul.u32 $0x500, s10;
	s12 =	sshrl.u32 s26, $0x1  }
0xb: {  	s11 =	sshrl.u32 s11, $0x2;
	s15 =	sadd.s32 $0x4000, s18;
	s20 =	sadd.s32 $0x8000, s18  }
0xc: {  	s21 =	sadd.s32 $0xC000, s18;
	s23 =	sadd.s32 $0x10000, s18;
	s30 =	ssub.s32 s26, s12  }
0xd: {  	s6 =	sadd.s32 s11, s1;
	s13 =	sadd.s32 s19, s18;
	s16 =	sadd.s32 s19, s15  }
0xe: {  	s15 =	sadd.s32 s15, s1;
	s17 =	sadd.s32 s20, s1;
	s20 =	sadd.s32 s19, s20  }
0xf: {  	s31 =	sadd.s32 s19, s21;
	s24 =	sadd.s32 s19, s23;
	s19 =	sadd.s32 s21, s1  }
0x10: {  	s21 =	sadd.s32 s23, s1;
	s23 =	simm.s32 $0x5000;
	s26 =	simm.s32 $0x80  }
0x11: {  	s7 =	sadd.s32 s7, s10;
	s8 =	sadd.s32 s8, s10;
	s9 =	smax.u32 s30, $0x1  }
0x12: {  	s10 =	sadd.s32 $0x4000, s6;
	s11 =	sadd.s32 $0x8000, s6;
	s12 =	sadd.s32 $0xC000, s6  }
0x13: {  	s14 =	sshrl.u32 s13, $0x3;
	s13 =	sadd.s32 $0x10000, s6;
	s16 =	sshrl.u32 s16, $0x3  }
0x14: {  	s20 =	sshrl.u32 s20, $0x3;
	s24 =	sshrl.u32 s24, $0x3;
	s14 =	sadd.s32 s22, s14  }
0x15: {  	s16 =	sadd.s32 s22, s16;
	s18 =	sadd.s32 s22, s20;
	s20 =	sshrl.u32 s31, $0x3  }
0x16: {  	s20 =	sadd.s32 s22, s20;
	s22 =	sadd.s32 s22, s24;
	s24 =	simm.s32 $0x2  }
.LBB2_1:
0x17: {  	[tilespmem:s23], [sflag:$0x2] =	stream.linear.gather [hbm4b:s5+s3], $0x4000, $0x38;
	[tilespmem:$0x1D000] =	vst v63  }
0x18: {  	_ =	swait.ge [sflag:s24], $0x4000  }
0x19: {  	[sflag:s24] =	ssyncset.done $0x0  }
0x1a: {  	[sflag:s24] =	ssyncadd.s32 $0xFFFFC000  }
0x1b: {  	[spmem:s6] =	stream.linear.scatter [tilespmem:s23], [sflag:$0x2], $0x4000, $0x38;
	[tilespmem:$0x1D000] =	vst v63  }
0x1c: {  	_ =	swait.ge [sflag:s24], $0x4000  }
0x1d: {  	[sflag:s24] =	ssyncset.done $0x0  }
0x1e: {  	[sflag:s24] =	ssyncadd.s32 $0xFFFFC000  }
0x1f: {  	[spmem:s10] =	stream.linear.scatter [tilespmem:s23], [sflag:$0x2], $0x4000, $0x38;
	[tilespmem:$0x1D000] =	vst v63  }
0x20: {  	_ =	swait.ge [sflag:s24], $0x4000  }
0x21: {  	[sflag:s24] =	ssyncset.done $0x0  }
0x22: {  	[sflag:s24] =	ssyncadd.s32 $0xFFFFC000  }
0x23: {  	[spmem:s11] =	stream.linear.scatter [tilespmem:s23], [sflag:$0x2], $0x4000, $0x38;
	[tilespmem:$0x1D000] =	vst v63  }
0x24: {  	_ =	swait.ge [sflag:s24], $0x4000  }
0x25: {  	[sflag:s24] =	ssyncset.done $0x0  }
0x26: {  	[sflag:s24] =	ssyncadd.s32 $0xFFFFC000  }
0x27: {  	[spmem:s12] =	stream.linear.scatter [tilespmem:s23], [sflag:$0x2], $0x4000, $0x38;
	[tilespmem:$0x1D000] =	vst v63  }
0x28: {  	_ =	swait.ge [sflag:s24], $0x4000  }
0x29: {  	[sflag:s24] =	ssyncset.done $0x0  }
0x2a: {  	[sflag:s24] =	ssyncadd.s32 $0xFFFFC000  }
0x2b: {  	[spmem:s13] =	stream.linear.scatter [tilespmem:s23], [sflag:$0x2], $0x4000, $0x38;
	[tilespmem:$0x1D000] =	vst v63  }
0x2c: {  	_ =	swait.ge [sflag:s24], $0x4000  }
0x2d: {  	[sflag:s24] =	ssyncset.done $0x0  }
0x2e: {  	[sflag:s24] =	ssyncadd.s32 $0xFFFFC000  }
0x2f: {  	[tilespmem:s3], [sflag:$0x2] =	stream.linear.gather [hbm4b:s7+s3], $0x2780, $0x38;
	[tilespmem:$0x1D000] =	vst v63  }
0x30: {  	_ =	swait.ge [sflag:s24], $0x2780  }
0x31: {  	[sflag:s24] =	ssyncset.done $0x0  }
0x32: {  	[sflag:s24] =	ssyncadd.s32 $0xFFFFD880  }
0x33: {  	[tilespmem:s25], [sflag:$0x2] =	stream.linear.gather [hbm4b:s8+s3], $0x2780, $0x38;
	[tilespmem:$0x1D000] =	vst v63  }
0x34: {  	_ =	swait.ge [sflag:s24], $0x2780  }
0x35: {  	[sflag:s24] =	ssyncset.done $0x0  }
0x36: {  	[sflag:s24] =	ssyncadd.s32 $0xFFFFD880  }
0x37: {  	s30 =	simm.s32 $0x0;
	[bflag:$0x0] =	sbarrier.arrive $0xFFFF  }
0x38: {  	[tilespmem:s23], [sflag:$0x1] =	stream.indirect.gather [hbm4b:s4+s26], $0x80, s30, s26, $0xb8;
	[tilespmem:$0x1D000] =	vst v63  }
0x39: {  	_ =	swait.ge [sflag:s28], $0x4000  }
0x3a: {  	[sflag:s28] =	ssyncset.done $0x0  }
0x3b: {  	s30 =	simm.s32 $0x2800;
	[sflag:s28] =	ssyncadd.s32 $0xFFFFC000  }
0x3c: {  	[spmem:s1] =	stream.indirect.scatter.add.f32 [tilespmem:s23], [sflag:$0x2], $0x80, s30, s26, $0xb8;
	[tilespmem:$0x1D000] =	vst v63  }
0x3d: {  	_ =	swait.ge [sflag:s24], $0x4000  }
0x3e: {  	s31 =	simm.s32 $0x400;
	s30 =	simm.s32 $0x200;
	[sflag:s24] =	ssyncset.done $0x0  }
.LBB2_2:
0x3f: {  	s0 =	sshra.s32 s30, $0x2  }
0x40: {  	[sflag:s24] =	ssyncadd.s32 $0xFFFFC000;
	s30 =	smov.u32 s31;
	s2 =	sadd.s32 $0x200, s31  }
0x41: {  	[tilespmem:s23], [sflag:$0x1] =	stream.indirect.gather [hbm4b:s4+s26], $0x80, s0, s26, $0xb8;
	[tilespmem:$0x1D000] =	vst v63  }
0x42: {  	p0 =	sne.s32 s31, $0x9C00;
	_ =	swait.ge [sflag:s28], $0x4000  }
.Ltmp0:
0x43: {  	[sflag:s28] =	ssyncset.done $0x0;
	(pc) =	sbr.rel @p0 .LBB2_2-.Ltmp0, $4  }
0x44: {  	s0 =	sadd.s32 $0x2800, s0;
	[sflag:s28] =	ssyncadd.s32 $0xFFFFC000  }
0x45: {  	[spmem:s1] =	stream.indirect.scatter.add.f32 [tilespmem:s23], [sflag:$0x2], $0x80, s0, s26, $0xb8;
	[tilespmem:$0x1D000] =	vst v63  }
0x46: {  	_ =	swait.ge [sflag:s24], $0x4000  }
0x47: {  	s31 =	smov.u32 s2;
	[sflag:s24] =	ssyncset.done $0x0  }
0x48: {  	s0 =	sshra.s32 s30, $0x2;
	[sflag:s24] =	ssyncadd.s32 $0xFFFFC000  }
0x49: {  	[tilespmem:s23], [sflag:$0x1] =	stream.indirect.gather [hbm4b:s4+s26], $0x80, s0, s26, $0xb8;
	[tilespmem:$0x1D000] =	vst v63  }
0x4a: {  	_ =	swait.ge [sflag:s28], $0x4000  }
0x4b: {  	[sflag:s28] =	ssyncset.done $0x0  }
0x4c: {  	s0 =	sadd.s32 $0x2800, s0;
	[sflag:s28] =	ssyncadd.s32 $0xFFFFC000  }
0x4d: {  	[spmem:s1] =	stream.indirect.scatter.add.f32 [tilespmem:s23], [sflag:$0x2], $0x80, s0, s26, $0xb8;
	[tilespmem:$0x1D000] =	vst v63  }
0x4e: {  	_ =	swait.ge [sflag:s24], $0x4000  }
0x4f: {  	[sflag:s24] =	ssyncset.done $0x0  }
0x50: {  	[sflag:s24] =	ssyncadd.s32 $0xFFFFC000  }
0x51: {  	[bflag:$0x0] =	sbarrier.arrive $0xFFFF  }
0x52: {  	[tilespmem:s23], [sflag:$0x2] =	stream.linear.gather [spmem:s6], $0x4000, $0x38;
	[tilespmem:$0x1D000] =	vst v63  }
0x53: {  	_ =	swait.ge [sflag:s24], $0x4000  }
0x54: {  	[sflag:s24] =	ssyncset.done $0x0  }
0x55: {  	[sflag:s24] =	ssyncadd.s32 $0xFFFFC000  }
0x56: {  	[hbm4b:s14+s3] =	stream.linear.scatter [tilespmem:s23], [sflag:$0x2], $0x4000, $0x38;
	[tilespmem:$0x1D000] =	vst v63  }
0x57: {  	_ =	swait.ge [sflag:s24], $0x4000  }
0x58: {  	[sflag:s24] =	ssyncset.done $0x0  }
0x59: {  	[sflag:s24] =	ssyncadd.s32 $0xFFFFC000  }
0x5a: {  	[tilespmem:s23], [sflag:$0x2] =	stream.linear.gather [spmem:s15], $0x4000, $0x38;
	[tilespmem:$0x1D000] =	vst v63  }
0x5b: {  	_ =	swait.ge [sflag:s24], $0x4000  }
0x5c: {  	[sflag:s24] =	ssyncset.done $0x0  }
0x5d: {  	[sflag:s24] =	ssyncadd.s32 $0xFFFFC000  }
0x5e: {  	[hbm4b:s16+s3] =	stream.linear.scatter [tilespmem:s23], [sflag:$0x2], $0x4000, $0x38;
	[tilespmem:$0x1D000] =	vst v63  }
0x5f: {  	_ =	swait.ge [sflag:s24], $0x4000  }
0x60: {  	[sflag:s24] =	ssyncset.done $0x0  }
0x61: {  	[sflag:s24] =	ssyncadd.s32 $0xFFFFC000  }
0x62: {  	[tilespmem:s23], [sflag:$0x2] =	stream.linear.gather [spmem:s17], $0x4000, $0x38;
	[tilespmem:$0x1D000] =	vst v63  }
0x63: {  	_ =	swait.ge [sflag:s24], $0x4000  }
0x64: {  	[sflag:s24] =	ssyncset.done $0x0  }
0x65: {  	[sflag:s24] =	ssyncadd.s32 $0xFFFFC000  }
0x66: {  	[hbm4b:s18+s3] =	stream.linear.scatter [tilespmem:s23], [sflag:$0x2], $0x4000, $0x38;
	[tilespmem:$0x1D000] =	vst v63  }
0x67: {  	_ =	swait.ge [sflag:s24], $0x4000  }
0x68: {  	[sflag:s24] =	ssyncset.done $0x0  }
0x69: {  	[sflag:s24] =	ssyncadd.s32 $0xFFFFC000  }
0x6a: {  	[tilespmem:s23], [sflag:$0x2] =	stream.linear.gather [spmem:s19], $0x4000, $0x38;
	[tilespmem:$0x1D000] =	vst v63  }
0x6b: {  	_ =	swait.ge [sflag:s24], $0x4000  }
0x6c: {  	[sflag:s24] =	ssyncset.done $0x0  }
0x6d: {  	[sflag:s24] =	ssyncadd.s32 $0xFFFFC000  }
0x6e: {  	[hbm4b:s20+s3] =	stream.linear.scatter [tilespmem:s23], [sflag:$0x2], $0x4000, $0x38;
	[tilespmem:$0x1D000] =	vst v63  }
0x6f: {  	_ =	swait.ge [sflag:s24], $0x4000  }
0x70: {  	[sflag:s24] =	ssyncset.done $0x0  }
0x71: {  	[sflag:s24] =	ssyncadd.s32 $0xFFFFC000  }
0x72: {  	[tilespmem:s23], [sflag:$0x2] =	stream.linear.gather [spmem:s21], $0x4000, $0x38;
	[tilespmem:$0x1D000] =	vst v63  }
0x73: {  	s29 =	sadd.s32 $0x1, s29;
	_ =	swait.ge [sflag:s24], $0x4000  }
0x74: {  	p0 =	sne.s32 s29, s9;
	[sflag:s24] =	ssyncset.done $0x0  }
.Ltmp1:
0x75: {  	[sflag:s24] =	ssyncadd.s32 $0xFFFFC000;
	(pc) =	sbr.rel @p0 .LBB2_1-.Ltmp1, $4  }
0x76: {  	[hbm4b:s22+s3] =	stream.linear.scatter [tilespmem:s23], [sflag:$0x2], $0x4000, $0x38;
	[tilespmem:$0x1D000] =	vst v63  }
0x77: {  	_ =	swait.ge [sflag:s24], $0x4000  }
0x78: {  	[sflag:s24] =	ssyncset.done $0x0  }
0x79: {  	[sflag:s24] =	ssyncadd.s32 $0xFFFFC000  }
0x7a: {  	_ =	sfence.sel $0x180000  }
0x7b: {  	[bflag:$0x0] =	sbarrier.arrive $0xFFFF  }
0x7c: {  	_ =	strace $0x9000004D  }
0x7d: {  	s0 =	stileid.u32;
	[bflag:$0x2] =	sbarrier.arrive $0xFFFF  }
0x7e: {  	p0 =	sne.s32 s0, $0x0;
	s0 =	rddreg [dreg:$0x4]  }
0x7f: {  	s0 =	sadd.s32 @!p0 $0x100000, s0  }
0x80: {  	[sflag:s0] =	ssyncadd.tile.s32 @!p0 $0x1;
	_ =	shalt  }
.Lfunc_end2:
_tile_overlayer_lowered:
.L_overlay_start_2:
0x81: {  	(tag) =	ssettag $0x2  }
0x82: {  	s0 =	rddreg [dreg:$0x0];
	s2 =	stileid.u32  }
0x83: {  	s1 =	rddreg [dreg:$0x1];
	p0 =	sne.s32 s2, $0x0  }
0x84: {  	s3 =	rddreg [dreg:$0x2];
	[bflag:$0x3] =	sbarrier.arrive $0xFFFF;
	s2 =	simm.s32 @!p0 $0x1C02  }
0x85: {  	[timem:s3], [sflag:s2] =	dma.local @!p0 [hbm:s0], s1  }
0x86: {  	s0 =	simm.s32 @!p0 $0x2  }
0x87: {  	_ =	swait.ge @!p0 [sflag:s0], s1  }
0x88: {  	s1 =	ssub.s32 @!p0 $0x0, s1;
	[sflag:s0] =	ssyncset.done @!p0 $0x0  }
0x89: {  	[sflag:s0] =	ssyncadd.s32 @!p0 s1  }
0x8a: {  	[bflag:$0x3] =	sbarrier.arrive $0xFFFF  }
0x8b: {  	_ =	shalt  }

// kernel: kernel.8.cloned.1.call-start
scs
__scs_entry_jumppad:
0x0: {  	(pc) =	sbr.rel $0x88, $3  }
0x1: {  	(tag) =	ssettag $0x0;
	lr =	simm.s32 $0x1  }
0x2: {  	[smem:$0x3F97] =	sst lr;
	_ =	strace $0xD0000000  }
0x3: {  	_ = 	snop  }
0x4: {  	_ = 	snop  }
0x5: {  	_ = 	snop  }
0x6: {  	_ = 	snop  }
0x7: {  	_ = 	snop  }
__scs_overlays_trampoline_lowered:
0x8: {  	[smem:$0x3FA6] =	sst s0  }
0x9: {  	[smem:$0x3FA7] =	sst s1  }
0xa: {  	[smem:$0x3FA8] =	sst s2  }
0xb: {  	[smem:$0x3FA9] =	sst s3  }
0xc: {  	[smem:$0x3FAA] =	sst s4  }
0xd: {  	[smem:$0x3FAB] =	sst s5  }
0xe: {  	[smem:$0x3FAC] =	sst s6  }
0xf: {  	[smem:$0x3FAD] =	sst s7  }
0x10: {  	[smem:$0x3FAE] =	sst s8  }
0x11: {  	[smem:$0x3FAF] =	sst s9;
	s0 =	simm.s32 @!p0 $0x0  }
0x12: {  	s1 =	sld [smem:$0x3F95];
	s0 =	simm.s32 @p0 $0x1  }
0x13: {  	[smem:$0x3FB0] =	sst s0;
	s0 =	simm.s32 @!p1 $0x0  }
0x14: {  	s2 =	sld [smem:$0x3F94];
	s0 =	simm.s32 @p1 $0x1  }
0x15: {  	[smem:$0x3FB1] =	sst s0;
	s0 =	simm.s32 @!p2 $0x0  }
0x16: {  	s3 =	sld [smem:$0x3FDB];
	s0 =	simm.s32 @p2 $0x1  }
0x17: {  	s4 =	simm.s32 $0x1BF5;
	[smem:$0x3FB3] =	sst s0  }
0x18: {  	s0 =	sld [smem:$0x3F96];
	_ =	swait.ge [sflag:s4], $0x0  }
0x19: {  	s7 =	sld [smem:$0x3F97]  }
0x1a: {  	s8 =	sadd.s32 $0xFFFFE003, lr  }
0x1b: {  	s9 =	sadd.s32 $0xFFFFFEF7, lr;
	s5 =	simm.s32 $0xFFFFFFFF;
	p2 =	slt.u32 s8, $0xFFFFF086  }
0x1c: {  	p1 =	slt.u32 s9, $0xF7A;
	s5 =	simm.s32 @!p2 $0x0  }
0x1d: {  	s5 =	simm.s32 @p1 $0x1;
	p0 =	seq.s32 s7, s2  }
0x1e: {  	s7 =	smul.u32 @!p0 $0xF7A, s2;
	p2 =	seq.s32 @!p0 s5, $0x0  }
0x1f: {  	s9 =	smul.u32 $0xF7A, s1;
	s8 =	simm.s32 @!p0 $0x1BF5;
	p2 =	por !p2, p0  }
0x20: {  	[sflag:s8] =	ssyncset.s32 @!p0 $0xFFFFF086;
	s6 =	sadd.s32 @!p0 s3, s7;
	s7 =	simm.s32 @!p0 $0x108  }
0x21: {  	s3 =	sadd.s32 s3, s9;
	s6 =	sadd.s32 @!p0 $0x88, s6;
	s7 =	simm.s32 @p2 $0x1082  }
0x22: {  	[simem:s7], [sflag:s8] =	dma.local @!p0 [hbm:s6], $0xF7A  }
0x23: {  	s9 =	sor.u32 $0xD0000000, s2;
	s6 =	simm.s32 $0x108;
	_ =	swait.ge @!p0 [sflag:s8], $0x0  }
0x24: {  	s3 =	sadd.s32 $0x88, s3;
	s6 =	simm.s32 @!p1 $0x1082;
	[sflag:s4] =	ssyncset.s32 $0xFFFFF086  }
0x25: {  	[simem:s6], [sflag:s4] =	dma.local [hbm:s3], $0xF7A  }
0x26: {  	[smem:$0x3F97] =	sst s1;
	(tag) =	ssettag s2;
	_ =	strace s9  }
0x27: {  	s1 =	sld [smem:$0x3FA7]  }
0x28: {  	s2 =	sld [smem:$0x3FA8]  }
0x29: {  	s4 =	sld [smem:$0x3FAA]  }
0x2a: {  	p0 =	seq.s32 s5, $0x0;
	s5 =	sld [smem:$0x3FAB]  }
0x2b: {  	s6 =	sld [smem:$0x3FAC]  }
0x2c: {  	s7 =	sld [smem:$0x3FAD]  }
0x2d: {  	s3 =	simm.s32 $0x108;
	s8 =	sld [smem:$0x3FAE]  }
0x2e: {  	s3 =	simm.s32 @!p0 $0x1082;
	s9 =	sld [smem:$0x3FAF]  }
0x2f: {  	lr =	sadd.s32 s0, s3;
	s0 =	sld [smem:$0x3FA6]  }
0x30: {  	s3 =	sld [smem:$0x3FA9]  }
0x31: {  	[smem:$0x3FB2] =	sst s10  }
0x32: {  	s10 =	sld [smem:$0x3FB0];
	_ =	sdelay $0x3  }
0x33: {  	p0 =	seq.s32 s10, $0x1;
	s10 =	sld [smem:$0x3FB2];
	_ =	sdelay $0x3  }
0x34: {  	[smem:$0x3FB2] =	sst s10  }
0x35: {  	s10 =	sld [smem:$0x3FB1];
	_ =	sdelay $0x3  }
0x36: {  	p1 =	seq.s32 s10, $0x1;
	s10 =	sld [smem:$0x3FB2];
	_ =	sdelay $0x3  }
0x37: {  	[smem:$0x3FB2] =	sst s10  }
0x38: {  	s10 =	sld [smem:$0x3FB3]  }
0x39: {  	_ = 	snop;
	(pc) =	sbr.ind lr, $3  }
0x3a: {  	_ = 	snop  }
0x3b: {  	_ = 	snop  }
0x3c: {  	p2 =	seq.s32 s10, $0x1;
	s10 =	sld [smem:$0x3FB2]  }
0x3d: {  	_ =	shalt  }
0x3e: {  	_ =	shalt  }
0x3f: {  	_ =	shalt  }
0x40: {  	_ =	shalt  }
0x41: {  	_ =	shalt  }
0x42: {  	_ =	shalt  }
0x43: {  	_ =	shalt  }
0x44: {  	_ =	shalt  }
0x45: {  	_ =	shalt  }
0x46: {  	_ =	shalt  }
0x47: {  	_ =	shalt  }
0x48: {  	_ =	shalt  }
0x49: {  	_ =	shalt  }
0x4a: {  	_ =	shalt  }
0x4b: {  	_ =	shalt  }
0x4c: {  	_ =	shalt  }
0x4d: {  	_ =	shalt  }
0x4e: {  	_ =	shalt  }
0x4f: {  	_ =	shalt  }
0x50: {  	_ =	shalt  }
0x51: {  	_ =	shalt  }
0x52: {  	_ =	shalt  }
0x53: {  	_ =	shalt  }
0x54: {  	_ =	shalt  }
0x55: {  	_ =	shalt  }
0x56: {  	_ =	shalt  }
0x57: {  	_ =	shalt  }
0x58: {  	_ =	shalt  }
0x59: {  	_ =	shalt  }
0x5a: {  	_ =	shalt  }
0x5b: {  	_ =	shalt  }
0x5c: {  	_ =	shalt  }
0x5d: {  	_ =	shalt  }
0x5e: {  	_ =	shalt  }
0x5f: {  	_ =	shalt  }
0x60: {  	_ =	shalt  }
0x61: {  	_ =	shalt  }
0x62: {  	_ =	shalt  }
0x63: {  	_ =	shalt  }
0x64: {  	_ =	shalt  }
0x65: {  	_ =	shalt  }
0x66: {  	_ =	shalt  }
0x67: {  	_ =	shalt  }
0x68: {  	_ =	shalt  }
0x69: {  	_ =	shalt  }
0x6a: {  	_ =	shalt  }
0x6b: {  	_ =	shalt  }
0x6c: {  	_ =	shalt  }
0x6d: {  	_ =	shalt  }
0x6e: {  	_ =	shalt  }
0x6f: {  	_ =	shalt  }
0x70: {  	_ =	shalt  }
0x71: {  	_ =	shalt  }
0x72: {  	_ =	shalt  }
0x73: {  	_ =	shalt  }
0x74: {  	_ =	shalt  }
0x75: {  	_ =	shalt  }
0x76: {  	_ =	shalt  }
0x77: {  	_ =	shalt  }
0x78: {  	_ =	shalt  }
0x79: {  	_ =	shalt  }
0x7a: {  	_ =	shalt  }
0x7b: {  	_ =	shalt  }
0x7c: {  	_ =	shalt  }
0x7d: {  	_ =	shalt  }
0x7e: {  	_ =	shalt  }
0x7f: {  	_ =	shalt  }
0x80: {  	_ =	shalt  }
0x81: {  	_ =	shalt  }
0x82: {  	_ =	shalt  }
0x83: {  	_ =	shalt  }
0x84: {  	_ =	shalt  }
0x85: {  	_ =	shalt  }
0x86: {  	_ =	shalt  }
0x87: {  	_ =	shalt  }
.Lfunc_end0:
.L_simem_size_0:
called_computation_lowered:
.L_overlay_start_0:
0x88: {  	s2 =	sld [smem:$0x3FD9]  }
0x89: {  	s3 =	sld [smem:$0x3FFE];
	_ =	sdelay $0x1  }
0x8a: {  	s1 =	srdreg.scid  }
0x8b: {  	s0 =	sand.u32 $0x1, s1  }
0x8c: {  	s14 =	sshll.u32 s0, $0xA;
	s2 =	sadd.s32 s3, s2  }
0x8d: {  	s2 =	sadd.s32 s2, s14  }
0x8e: {  	[smem:$0x3FBE] =	sst s2  }
0x8f: {  	_ = 	snop  }
0x90: {  	s2 =	sld [smem:$0x3FD0];
	_ =	sdelay $0x2  }
0x91: {  	s15 =	simm.s32 $0xA;
	s4 =	simm.s32 $0x10  }
0x92: {  	[smem:s4], [sflag:s15] =	dma.local [hbm:s2], $0x1  }
0x93: {  	_ =	swait.eq [sflag:s15], $0x1  }
0x94: {  	[sflag:s15] =	ssyncset.done $0x0  }
0x95: {  	[sflag:s15] =	ssyncadd.s32 $0xFFFFFFFF  }
0x96: {  	s16 =	sld [smem:$0x11];
	(tm) =	ssettm $0x1  }
0x97: {  	s17 =	sld [smem:$0x3FFB];
	_ =	sdelay $0x3  }
0x98: {  	_ =	strace s17  }
0x99: {  	s3 =	sld [smem:$0x3FFC];
	_ =	sdelay $0x3  }
0x9a: {  	_ =	strace s3  }
0x9b: {  	s3 =	sld [smem:$0x3FFD];
	_ =	sdelay $0x3  }
0x9c: {  	_ =	strace s3  }
0x9d: {  	_ =	strace $0x8FFFFFFF  }
0x9e: {  	s18 =	sld [smem:$0x3FDB];
	_ =	sdelay $0x1  }
0x9f: {  	s19 =	simm.s32 $_scs_section_size  }
0xa0: {  	s5 =	simm.s32 $_size__tile_overlayer_lowered;
	s6 =	simm.s32 $_tile_overlayer_lowered  }
0xa1: {  	s22 =	simm.s32 $0x1BFF;
	s21 =	sshll.u32 s6, $0x1;
	s3 =	sadd.s32 s19, s18  }
0xa2: {  	s7 =	simm.s32 $0x0;
	s20 =	sshll.u32 s5, $0x1;
	s5 =	sadd.s32 s21, s3  }
0xa3: {  	[timem:s7], [sflag:s22] =	dma.local [hbm:s5], s20  }
0xa4: {  	_ =	swait.ge [sflag:s22], s20  }
0xa5: {  	s4 =	ssub.s32 $0x0, s20;
	[sflag:s22] =	ssyncset.done $0x0  }
0xa6: {  	[sflag:s22] =	ssyncadd.s32 s4;
	_ =	sdelay $0x1  }
0xa7: {  	s23 =	simm.s32 $0x1B8B  }
0xa8: {  	_ =	swait.ge [sflag:s23], $0x1  }
0xa9: {  	[sflag:s23] =	ssyncset.done $0x0  }
0xaa: {  	s25 =	simm.s32 $0x1B8E;
	s24 =	sld [smem:$0x3FFE];
	[sflag:s23] =	ssyncadd.s32 $0xFFFFFFFF  }
0xab: {  	s26 =	simm.s32 $execute0_lowered;
	[smem:$0x3FD2] =	sst s25  }
0xac: {  	s5 =	sshll.u32 s26, $0x1;
	_ =	strace $0x80000046;
	[dreg:$0x1] =	wrdreg $0xFFFFFFFF  }
0xad: {  	s28 =	simm.s32 $_size_execute0_lowered;
	s3 =	sadd.s32 s3, s5;
	[dreg:$0x0] =	wrdreg $0x0  }
0xae: {  	s5 =	sshll.u32 s28, $0x1;
	[dreg:$0x2] =	wrdreg s3  }
0xaf: {  	[dreg:$0x3] =	wrdreg s5  }
0xb0: {  	[dreg:$0x4] =	wrdreg $0xC0  }
0xb1: {  	_ =	task [dreg:s7], $0x5FFFF  }
0xb2: {  	[dreg:$0x1] =	wrdreg $0xFFFFFFFF  }
0xb3: {  	[dreg:$0x0] =	wrdreg $0x60  }
0xb4: {  	[dreg:$0x2] =	wrdreg s16  }
0xb5: {  	[dreg:$0x3] =	wrdreg s24  }
0xb6: {  	[dreg:$0x4] =	wrdreg $0xA8000  }
0xb7: {  	[dreg:$0x5] =	wrdreg $0x9  }
0xb8: {  	_ =	task.clear_ibuf [dreg:s7], $0x6FFFF;
	_ =	strace $0x90000046  }
0xb9: {  	s29 =	simm.s32 $0x9;
	_ =	strace $0x80000048  }
0xba: {  	_ =	swait.ge [sflag:s29], $0x1  }
0xbb: {  	[sflag:s29] =	ssyncadd.s32 $0xFFFFFFFF  }
0xbc: {  	_ =	strace $0x90000048  }
0xbd: {  	_ =	sfence  }
0xbe: {  	s30 =	sld [smem:$0x0];
	_ =	sdelay $0x2  }
0xbf: {  	s31 =	sshll.u32 s1, $0xD;
	s1 =	sshrl.u32 s1, $0x2  }
0xc0: {  	s3 =	sand.u32 $0x4000, s31;
	s1 =	sadd.s32 s1, s30  }
0xc1: {  	s0 =	sor.u32 s3, s0;
	s1 =	sshll.u32 s1, $0x11  }
0xc2: {  	s0 =	sor.u32 s1, s0  }
0xc3: {  	s0 =	sadd.s32 $0x8F2B, s0  }
0xc4: {  	[sflag:s0] =	ssyncadd.remote.s32 $0x1  }
0xc5: {  	_ =	sfence.sel $0xFFFF  }
0xc6: {  	[dreg:$0x0] =	wrdreg $0xFFFFFFFF;
	(pc) =	sbr.abs _section_cstart, $3  }
0xc7: {  	[dreg:$0x1] =	wrdreg $0xFFFFFFFF  }
0xc8: {  	_ =	task.clear_ibuf [dreg:s7], $0x2FFFF;
	_ =	strace $0x9FFFFFFF  }
0xc9: {  	(tm) =	ssettm $0x7FFFFFFF  }
tec
execute0_lowered:
.L_overlay_start_1:
0x0: {  	(tag) =	ssettag $0x1  }
0x1: {  	s7 =	rddreg [dreg:$0x0]  }
0x2: {  	s6 =	rddreg [dreg:$0x1]  }
0x3: {  	s1 =	rddreg [dreg:$0x2]  }
0x4: {  	s0 =	rddreg [dreg:$0x3]  }
0x5: {  	s2 =	simm.s32 $0x0;
	s8 =	srdreg.scid;
	s3 =	stileid.u32  }
0x6: {  	s24 =	simm.s32 $0x2800;
	s25 =	simm.s32 $0x80;
	s26 =	simm.s32 $0x0  }
0x7: {  	[smem:$0x7FF] =	sst s2;
	s4 =	sadd.s32 $0x3200, s6;
	s5 =	sadd.s32 $0x2A00, s6  }
0x8: {  	s8 =	sand.u32 $0x1, s8;
	s9 =	sshll.u32 s3, $0x1;
	s11 =	smul.u32 $0x50000, s3  }
0x9: {  	s21 =	sadd.s32 $0x3A00, s6;
	s18 =	smul.u32 $0x14000, s3;
	_ =	strace $0x80000047  }
0xa: {  	s10 =	ssub.s32 $0x2, s8;
	s9 =	sor.u32 s8, s9;
	s19 =	smul.u32 $0x140000, s8  }
0xb: {  	s28 =	sshrl.u32 s10, $0x1;
	s9 =	smul.u32 $0x500, s9;
	s29 =	sshrl.u32 s11, $0x2  }
0xc: {  	s14 =	sadd.s32 $0x4000, s18;
	s16 =	sadd.s32 $0x8000, s18;
	s20 =	sadd.s32 $0xC000, s18  }
0xd: {  	s23 =	sadd.s32 $0x10000, s18;
	s10 =	ssub.s32 s10, s28;
	s6 =	sadd.s32 s29, s1  }
0xe: {  	s13 =	sadd.s32 s19, s18;
	s15 =	sadd.s32 s19, s14;
	s14 =	sadd.s32 s14, s1  }
0xf: {  	s17 =	sadd.s32 s19, s16;
	s16 =	sadd.s32 s16, s1;
	s22 =	sadd.s32 s19, s20  }
0x10: {  	s18 =	sadd.s32 s20, s1;
	s31 =	sadd.s32 s19, s23;
	s20 =	sadd.s32 s23, s1  }
0x11: {  	s23 =	simm.s32 $0x1;
	s7 =	sadd.s32 s7, s9;
	s8 =	smax.u32 s10, $0x1  }
0x12: {  	s9 =	sadd.s32 $0x4000, s6;
	s10 =	sadd.s32 $0x8000, s6;
	s11 =	sadd.s32 $0xC000, s6  }
0x13: {  	s12 =	sadd.s32 $0x10000, s6;
	s13 =	sshrl.u32 s13, $0x3;
	s15 =	sshrl.u32 s15, $0x3  }
0x14: {  	s17 =	sshrl.u32 s17, $0x3;
	s30 =	sshrl.u32 s22, $0x3;
	s22 =	sshrl.u32 s31, $0x3  }
0x15: {  	s13 =	sadd.s32 s21, s13;
	s15 =	sadd.s32 s21, s15;
	s17 =	sadd.s32 s21, s17  }
0x16: {  	s19 =	sadd.s32 s21, s30;
	s21 =	sadd.s32 s21, s22;
	s22 =	simm.s32 $0x6800  }
.LBB2_1:
0x17: {  	[tilespmem:s22], [sflag:$0x1] =	stream.linear.gather [hbm4b:s5+s2], $0x4000, $0x38;
	[tilespmem:$0x1E800] =	vst v63  }
0x18: {  	_ =	swait.ge [sflag:s23], $0x4000  }
0x19: {  	[sflag:s23] =	ssyncset.done $0x0  }
0x1a: {  	[sflag:s23] =	ssyncadd.s32 $0xFFFFC000  }
0x1b: {  	[spmem:s6] =	stream.linear.scatter [tilespmem:s22], [sflag:$0x1], $0x4000, $0x38;
	[tilespmem:$0x1E800] =	vst v63  }
0x1c: {  	_ =	swait.ge [sflag:s23], $0x4000  }
0x1d: {  	[sflag:s23] =	ssyncset.done $0x0  }
0x1e: {  	[sflag:s23] =	ssyncadd.s32 $0xFFFFC000  }
0x1f: {  	[spmem:s9] =	stream.linear.scatter [tilespmem:s22], [sflag:$0x1], $0x4000, $0x38;
	[tilespmem:$0x1E800] =	vst v63  }
0x20: {  	_ =	swait.ge [sflag:s23], $0x4000  }
0x21: {  	[sflag:s23] =	ssyncset.done $0x0  }
0x22: {  	[sflag:s23] =	ssyncadd.s32 $0xFFFFC000  }
0x23: {  	[spmem:s10] =	stream.linear.scatter [tilespmem:s22], [sflag:$0x1], $0x4000, $0x38;
	[tilespmem:$0x1E800] =	vst v63  }
0x24: {  	_ =	swait.ge [sflag:s23], $0x4000  }
0x25: {  	[sflag:s23] =	ssyncset.done $0x0  }
0x26: {  	[sflag:s23] =	ssyncadd.s32 $0xFFFFC000  }
0x27: {  	[spmem:s11] =	stream.linear.scatter [tilespmem:s22], [sflag:$0x1], $0x4000, $0x38;
	[tilespmem:$0x1E800] =	vst v63  }
0x28: {  	_ =	swait.ge [sflag:s23], $0x4000  }
0x29: {  	[sflag:s23] =	ssyncset.done $0x0  }
0x2a: {  	[sflag:s23] =	ssyncadd.s32 $0xFFFFC000  }
0x2b: {  	[spmem:s12] =	stream.linear.scatter [tilespmem:s22], [sflag:$0x1], $0x4000, $0x38;
	[tilespmem:$0x1E800] =	vst v63  }
0x2c: {  	_ =	swait.ge [sflag:s23], $0x4000  }
0x2d: {  	[sflag:s23] =	ssyncset.done $0x0  }
0x2e: {  	[sflag:s23] =	ssyncadd.s32 $0xFFFFC000  }
0x2f: {  	[tilespmem:s24], [sflag:$0x1] =	stream.linear.gather [hbm4b:s4+s2], $0x4000, $0x38;
	[tilespmem:$0x1E800] =	vst v63  }
0x30: {  	_ =	swait.ge [sflag:s23], $0x4000  }
0x31: {  	[sflag:s23] =	ssyncset.done $0x0  }
0x32: {  	[sflag:s23] =	ssyncadd.s32 $0xFFFFC000  }
0x33: {  	[tilespmem:s2], [sflag:$0x1] =	stream.linear.gather [hbm4b:s7+s2], $0x2780, $0x38;
	[tilespmem:$0x1E800] =	vst v63  }
0x34: {  	_ =	swait.ge [sflag:s23], $0x2780  }
0x35: {  	[sflag:s23] =	ssyncset.done $0x0  }
0x36: {  	[sflag:s23] =	ssyncadd.s32 $0xFFFFD880  }
0x37: {  	s28 =	simm.s32 $0x0;
	[bflag:$0x0] =	sbarrier.arrive $0xFFFF  }
0x38: {  	[spmem:s1] =	stream.indirect.scatter.add.f32 [tilespmem:s24], [sflag:$0x1], $0x80, s28, s25, $0xb8;
	[tilespmem:$0x1E800] =	vst v63  }
0x39: {  	_ =	swait.ge [sflag:s23], $0x4000  }
0x3a: {  	s28 =	simm.s32 $0x200;
	[sflag:s23] =	ssyncset.done $0x0  }
.LBB2_2:
0x3b: {  	s29 =	sshra.s32 s28, $0x2;
	[sflag:s23] =	ssyncadd.s32 $0xFFFFC000;
	p0 =	sne.s32 s28, $0x9C00  }
0x3c: {  	[spmem:s1] =	stream.indirect.scatter.add.f32 [tilespmem:s24], [sflag:$0x1], $0x80, s29, s25, $0xb8;
	[tilespmem:$0x1E800] =	vst v63  }
.Ltmp0:
0x3d: {  	_ = 	snop;
	(pc) =	sbr.rel @p0 .LBB2_2-.Ltmp0, $4  }
0x3e: {  	_ = 	snop  }
0x3f: {  	s28 =	sadd.s32 $0x200, s28  }
0x40: {  	_ =	swait.ge [sflag:s23], $0x4000  }
0x41: {  	[sflag:s23] =	ssyncset.done $0x0  }
0x42: {  	[sflag:s23] =	ssyncadd.s32 $0xFFFFC000  }
0x43: {  	[bflag:$0x0] =	sbarrier.arrive $0xFFFF  }
0x44: {  	[tilespmem:s22], [sflag:$0x1] =	stream.linear.gather [spmem:s6], $0x4000, $0x38;
	[tilespmem:$0x1E800] =	vst v63  }
0x45: {  	_ =	swait.ge [sflag:s23], $0x4000  }
0x46: {  	[sflag:s23] =	ssyncset.done $0x0  }
0x47: {  	[sflag:s23] =	ssyncadd.s32 $0xFFFFC000  }
0x48: {  	[hbm4b:s13+s2] =	stream.linear.scatter [tilespmem:s22], [sflag:$0x1], $0x4000, $0x38;
	[tilespmem:$0x1E800] =	vst v63  }
0x49: {  	_ =	swait.ge [sflag:s23], $0x4000  }
0x4a: {  	[sflag:s23] =	ssyncset.done $0x0  }
0x4b: {  	[sflag:s23] =	ssyncadd.s32 $0xFFFFC000  }
0x4c: {  	[tilespmem:s22], [sflag:$0x1] =	stream.linear.gather [spmem:s14], $0x4000, $0x38;
	[tilespmem:$0x1E800] =	vst v63  }
0x4d: {  	_ =	swait.ge [sflag:s23], $0x4000  }
0x4e: {  	[sflag:s23] =	ssyncset.done $0x0  }
0x4f: {  	[sflag:s23] =	ssyncadd.s32 $0xFFFFC000  }
0x50: {  	[hbm4b:s15+s2] =	stream.linear.scatter [tilespmem:s22], [sflag:$0x1], $0x4000, $0x38;
	[tilespmem:$0x1E800] =	vst v63  }
0x51: {  	_ =	swait.ge [sflag:s23], $0x4000  }
0x52: {  	[sflag:s23] =	ssyncset.done $0x0  }
0x53: {  	[sflag:s23] =	ssyncadd.s32 $0xFFFFC000  }
0x54: {  	[tilespmem:s22], [sflag:$0x1] =	stream.linear.gather [spmem:s16], $0x4000, $0x38;
	[tilespmem:$0x1E800] =	vst v63  }
0x55: {  	_ =	swait.ge [sflag:s23], $0x4000  }
0x56: {  	[sflag:s23] =	ssyncset.done $0x0  }
0x57: {  	[sflag:s23] =	ssyncadd.s32 $0xFFFFC000  }
0x58: {  	[hbm4b:s17+s2] =	stream.linear.scatter [tilespmem:s22], [sflag:$0x1], $0x4000, $0x38;
	[tilespmem:$0x1E800] =	vst v63  }
0x59: {  	_ =	swait.ge [sflag:s23], $0x4000  }
0x5a: {  	[sflag:s23] =	ssyncset.done $0x0  }
0x5b: {  	[sflag:s23] =	ssyncadd.s32 $0xFFFFC000  }
0x5c: {  	[tilespmem:s22], [sflag:$0x1] =	stream.linear.gather [spmem:s18], $0x4000, $0x38;
	[tilespmem:$0x1E800] =	vst v63  }
0x5d: {  	_ =	swait.ge [sflag:s23], $0x4000  }
0x5e: {  	[sflag:s23] =	ssyncset.done $0x0  }
0x5f: {  	[sflag:s23] =	ssyncadd.s32 $0xFFFFC000  }
0x60: {  	[hbm4b:s19+s2] =	stream.linear.scatter [tilespmem:s22], [sflag:$0x1], $0x4000, $0x38;
	[tilespmem:$0x1E800] =	vst v63  }
0x61: {  	_ =	swait.ge [sflag:s23], $0x4000  }
0x62: {  	[sflag:s23] =	ssyncset.done $0x0  }
0x63: {  	[sflag:s23] =	ssyncadd.s32 $0xFFFFC000  }
0x64: {  	[tilespmem:s22], [sflag:$0x1] =	stream.linear.gather [spmem:s20], $0x4000, $0x38;
	[tilespmem:$0x1E800] =	vst v63  }
0x65: {  	s26 =	sadd.s32 $0x1, s26;
	_ =	swait.ge [sflag:s23], $0x4000  }
0x66: {  	p0 =	sne.s32 s26, s8;
	[sflag:s23] =	ssyncset.done $0x0  }
.Ltmp1:
0x67: {  	[sflag:s23] =	ssyncadd.s32 $0xFFFFC000;
	(pc) =	sbr.rel @p0 .LBB2_1-.Ltmp1, $4  }
0x68: {  	[hbm4b:s21+s2] =	stream.linear.scatter [tilespmem:s22], [sflag:$0x1], $0x4000, $0x38;
	[tilespmem:$0x1E800] =	vst v63  }
0x69: {  	_ =	swait.ge [sflag:s23], $0x4000  }
0x6a: {  	[sflag:s23] =	ssyncset.done $0x0  }
0x6b: {  	[sflag:s23] =	ssyncadd.s32 $0xFFFFC000  }
0x6c: {  	_ =	sfence.sel $0x180000  }
0x6d: {  	[bflag:$0x0] =	sbarrier.arrive $0xFFFF  }
0x6e: {  	p0 =	sne.s32 s3, $0x0;
	_ =	strace $0x90000047  }
0x6f: {  	s0 =	sadd.s32 @!p0 $0x100000, s0;
	[bflag:$0x2] =	sbarrier.arrive $0xFFFF  }
0x70: {  	[sflag:s0] =	ssyncadd.tile.s32 @!p0 $0x1;
	_ =	shalt  }
.Lfunc_end2:
_tile_overlayer_lowered:
.L_overlay_start_2:
0x71: {  	(tag) =	ssettag $0x2  }
0x72: {  	s0 =	rddreg [dreg:$0x0];
	s2 =	stileid.u32  }
0x73: {  	s1 =	rddreg [dreg:$0x1];
	p0 =	sne.s32 s2, $0x0  }
0x74: {  	s3 =	rddreg [dreg:$0x2];
	[bflag:$0x3] =	sbarrier.arrive $0xFFFF;
	s2 =	simm.s32 @!p0 $0x1C01  }
0x75: {  	[timem:s3], [sflag:s2] =	dma.local @!p0 [hbm:s0], s1  }
0x76: {  	s0 =	simm.s32 @!p0 $0x1  }
0x77: {  	_ =	swait.ge @!p0 [sflag:s0], s1  }
0x78: {  	s1 =	ssub.s32 @!p0 $0x0, s1;
	[sflag:s0] =	ssyncset.done @!p0 $0x0  }
0x79: {  	[sflag:s0] =	ssyncadd.s32 @!p0 s1  }
0x7a: {  	[bflag:$0x3] =	sbarrier.arrive $0xFFFF  }
0x7b: {  	_ =	shalt  }

</sc_bundles>
